<compile_context>
chip_gen: v7x
topology: tpu7x:2x2x1
jax: 0.10.2.dev20260603
libtpu: 0.0.44.dev20260713+nightly
codegen_flags: <defaults>
</compile_context>

<pallas_src>
import functools

import jax
import jax.numpy as jnp
from jax import lax
from jax.experimental import pallas as pl
from jax.experimental.pallas import tpu as pltpu
from jax.experimental.pallas import tpu_sc as plsc

_BATCH = 128
_VOCAB = 100000
_NC = 2
_NS = 16
_NW = _NC * _NS
_CHUNK = 10000
_CPR = _VOCAB // _CHUNK
_LANES = 16
_NCHAIN = 5

_K_SC = 32
_K_TC = _BATCH - _K_SC


def _lane_gather(x, idx):
    return lax.gather(
        x,
        idx[:, None],
        dimension_numbers=lax.GatherDimensionNumbers(
            offset_dims=(), collapsed_slice_dims=(0,), start_index_map=(0,)),
        slice_sizes=(1,),
        mode=lax.GatherScatterMode.PROMISE_IN_BOUNDS,
    )


def _sc_argmax_body(rpw, x_hbm, out_hbm, buf0, buf1, buf2, buf3, buf4, res_v,
                    sem0, sem1, sem2, sem3, sem4):
    wid = lax.axis_index("s") * _NC + lax.axis_index("c")
    row0 = wid * rpw
    bufs = (buf0, buf1, buf2, buf3)
    sems = (sem0, sem1, sem2, sem3)
    nchunks = rpw * _CPR

    base = row0 * _VOCAB

    def start(g, b):
        pltpu.make_async_copy(
            x_hbm.at[pl.ds(base + g * _CHUNK, _CHUNK)],
            bufs[b],
            sems[b],
        ).start()

    for b in range(min(4, nchunks)):
        start(b, b)

    lane = lax.iota(jnp.int32, _LANES)
    res = jnp.zeros((_LANES,), jnp.int32)
    neg_inf = jnp.full((_LANES,), -jnp.inf, jnp.float32)
    zeros = jnp.zeros((_LANES,), jnp.int32)

    for r in range(rpw):
        cm = neg_inf
        for c in range(_CPR):
            g = r * _CPR + c
            b = g % 4
            pltpu.make_async_copy(
                x_hbm.at[pl.ds(0, _CHUNK)], bufs[b], sems[b]
            ).wait()

            @pl.loop(0, _CHUNK, init_carry=(neg_inf,) * _NCHAIN,
                     step=_LANES * _NCHAIN)
            def inner(off, ic):
                return tuple(
                    jnp.maximum(ic[k],
                                bufs[b][pl.ds(off + k * _LANES, _LANES)])
                    for k in range(_NCHAIN))

            if g + 4 < nchunks:
                start(g + 4, b)

            m = inner[0]
            for k in range(1, _NCHAIN):
                m = jnp.maximum(m, inner[k])
            for shift in (8, 4, 2, 1):
                m = jnp.maximum(m, _lane_gather(m, lane ^ shift))
            cm = jnp.where(lane == c, m, cm)

        ci = lane
        for shift in (8, 4, 2, 1):
            ov = _lane_gather(cm, lane ^ shift)
            oi = _lane_gather(ci, lane ^ shift)
            p = (ov > cm) | ((ov == cm) & (oi < ci))
            cm = jnp.where(p, ov, cm)
            ci = jnp.where(p, oi, ci)

        c_star = ci[0]

        pltpu.make_async_copy(
            x_hbm.at[pl.ds(base + r * _VOCAB + c_star * _CHUNK, _CHUNK)],
            buf4,
            sem4,
        ).start()
        pltpu.make_async_copy(
            x_hbm.at[pl.ds(0, _CHUNK)], buf4, sem4
        ).wait()

        @pl.loop(0, _CHUNK,
                 init_carry=tuple((neg_inf, zeros) for _ in range(_NCHAIN)),
                 step=_LANES * _NCHAIN)
        def scan2(off, ic):
            basev = jnp.full((_LANES,), off, jnp.int32)
            nxt = []
            for k in range(_NCHAIN):
                m, mo = ic[k]
                v = buf4[pl.ds(off + k * _LANES, _LANES)]
                p = v > m
                nxt.append((
                    jnp.where(p, v, m),
                    jnp.where(p, basev, mo),
                ))
            return tuple(nxt)

        m, mi = scan2[0]
        mi = mi + lane
        for k in range(1, _NCHAIN):
            bm, bmi = scan2[k]
            bmi = bmi + (lane + k * _LANES)
            p = (bm > m) | ((bm == m) & (bmi < mi))
            m = jnp.where(p, bm, m)
            mi = jnp.where(p, bmi, mi)
        for shift in (8, 4, 2, 1):
            ov = _lane_gather(m, lane ^ shift)
            oi = _lane_gather(mi, lane ^ shift)
            p = (ov > m) | ((ov == m) & (oi < mi))
            m = jnp.where(p, ov, m)
            mi = jnp.where(p, oi, mi)

        res = jnp.where(lane == r, ci * _CHUNK + mi, res)

    res_v[...] = res
    pltpu.sync_copy(res_v, out_hbm.at[wid])


def _make_sc_argmax(rpw):
    mesh = plsc.VectorSubcoreMesh(
        core_axis_name="c", subcore_axis_name="s",
        num_cores=_NC, num_subcores=_NS)
    return pl.kernel(
        functools.partial(_sc_argmax_body, rpw),
        out_type=jax.ShapeDtypeStruct((_NW, _LANES), jnp.int32),
        mesh=mesh,
        scratch_types=[
            pltpu.VMEM((_CHUNK,), jnp.float32),
            pltpu.VMEM((_CHUNK,), jnp.float32),
            pltpu.VMEM((_CHUNK,), jnp.float32),
            pltpu.VMEM((_CHUNK,), jnp.float32),
            pltpu.VMEM((_CHUNK,), jnp.float32),
            pltpu.VMEM((_LANES,), jnp.int32),
            pltpu.SemaphoreType.DMA,
            pltpu.SemaphoreType.DMA,
            pltpu.SemaphoreType.DMA,
            pltpu.SemaphoreType.DMA,
            pltpu.SemaphoreType.DMA,
        ],
    )


_TC_RB = 8


def _tc_argmax_body(x_ref, o_ref):
    x = x_ref[...]
    rm = jnp.max(x, axis=1)
    col = lax.broadcasted_iota(jnp.int32, x.shape, 1)
    o_ref[...] = jnp.min(jnp.where(x == rm[:, None], col, _VOCAB),
                         axis=1, keepdims=True)


def _tc_argmax(x):
    rows = x.shape[0]
    out = pl.pallas_call(
        _tc_argmax_body,
        grid=(rows // _TC_RB,),
        in_specs=[pl.BlockSpec((_TC_RB, _VOCAB), lambda i: (i, 0))],
        out_specs=pl.BlockSpec((_TC_RB, 1), lambda i: (i, 0)),
        out_shape=jax.ShapeDtypeStruct((rows, 1), jnp.int32),
    )(x)
    return out[:, 0]


_sc_argmax = _make_sc_argmax(_K_SC // _NW)


@jax.jit
def _hybrid(x):
    sc_pad = _sc_argmax(x[:_K_SC].reshape(-1))
    tc_idx = _tc_argmax(x[_K_SC:])
    sc_idx = sc_pad[:, :_K_SC // _NW].reshape(_K_SC)
    return jnp.concatenate([sc_idx, tc_idx])


def kernel(logits):
    assert logits.shape == (_BATCH, _VOCAB)
    return _hybrid(logits)

# --- scband reference (transcript-rebuilt; emitter-appended) ---
"""Pipeline reference for scband-sampler-91328184582654 (READ-ONLY COPY).

The authoritative reference and input builder live on the scoring server;
editing this copy changes nothing except your own understanding.
"""

import jax, jax.numpy as jnp
import numpy as np

BATCH = 128
VOCAB = 100000

def setup_inputs(seed: int = 0) -> dict:
    key = jax.random.key(seed)
    logits = jax.random.normal(key, (BATCH, VOCAB), dtype=jnp.float32)
    return {"logits": logits}

def reference(logits):
    # Faithful translation of Sampler.forward: greedy argmax over vocab.
    # Original returns a Python list; here we return the index array.
    assert logits.ndim == 2
    assert logits.shape[1] == VOCAB
    rets = jnp.argmax(logits, axis=-1)
    return rets

if __name__ == "__main__":
    import jax
    _d = setup_inputs()
    print(jax.jit(kernel)(*tuple(_d.values())))

</pallas_src>

<mosaic_0001>
#map = affine_map<(d0, d1) -> (0)>
#map1 = affine_map<(d0, d1) -> (0, 0)>
module attributes {stable_mosaic.version = 14 : i64} {
  func.func @_sc_argmax_body(%arg0: i32, %arg1: i32, %arg2: memref<3200000xf32, #tpu.memory_space<hbm>>, %arg3: memref<32x16xi32, #tpu.memory_space<hbm>>, %arg4: memref<10000xf32, #tpu.memory_space<vmem>>, %arg5: memref<10000xf32, #tpu.memory_space<vmem>>, %arg6: memref<10000xf32, #tpu.memory_space<vmem>>, %arg7: memref<10000xf32, #tpu.memory_space<vmem>>, %arg8: memref<10000xf32, #tpu.memory_space<vmem>>, %arg9: memref<16xi32, #tpu.memory_space<vmem>>, %arg10: memref<!tpu.dma_semaphore, #tpu.memory_space<semaphore_mem>>, %arg11: memref<!tpu.dma_semaphore, #tpu.memory_space<semaphore_mem>>, %arg12: memref<!tpu.dma_semaphore, #tpu.memory_space<semaphore_mem>>, %arg13: memref<!tpu.dma_semaphore, #tpu.memory_space<semaphore_mem>>, %arg14: memref<!tpu.dma_semaphore, #tpu.memory_space<semaphore_mem>>) attributes {dimension_semantics = [#tpu.dimension_semantics<core_parallel>, #tpu.dimension_semantics<subcore_parallel>], iteration_bounds = array<i64: 2, 16>, scalar_prefetch = 0 : i64, scratch_operands = 11 : i64, tpu.core_type = #tpu.core_type<sc_vector_subcore>, window_params = [{transform_indices = #map}, {transform_indices = #map1}]} {
    %mul3A = arith.constant 2 : i32
    %mul3A_0 = arith.muli %arg1, %mul3A : i32
    %add3A = arith.addi %mul3A_0, %arg0 : i32
    %mul3A_1 = arith.constant 1 : i32
    %mul3A_2 = arith.muli %add3A, %mul3A_1 : i32
    %mul3A_3 = arith.constant 100000 : i32
    %mul3A_4 = arith.muli %mul3A_2, %mul3A_3 : i32
    %add3A_5 = arith.constant 0 : i32
    %add3A_6 = arith.addi %mul3A_4, %add3A_5 : i32
    %dma_start3A = tpu.memref_slice %arg2[%add3A_6] : memref<3200000xf32, #tpu.memory_space<hbm>> -> memref<10000xf32, #tpu.memory_space<hbm>>
    %dma_start3A_7 = tpu.memref_slice %arg2[%add3A_6] : memref<3200000xf32, #tpu.memory_space<hbm>> -> memref<10000xf32, #tpu.memory_space<hbm>>
    tpu.enqueue_dma source(%dma_start3A_7 : memref<10000xf32, #tpu.memory_space<hbm>>) target(%arg4 : memref<10000xf32, #tpu.memory_space<vmem>>) target_semaphore(%arg10 : memref<!tpu.dma_semaphore, #tpu.memory_space<semaphore_mem>>)
    %add3A_8 = arith.constant 10000 : i32
    %add3A_9 = arith.addi %mul3A_4, %add3A_8 : i32
    %dma_start3A_10 = tpu.memref_slice %arg2[%add3A_9] : memref<3200000xf32, #tpu.memory_space<hbm>> -> memref<10000xf32, #tpu.memory_space<hbm>>
    %dma_start3A_11 = tpu.memref_slice %arg2[%add3A_9] : memref<3200000xf32, #tpu.memory_space<hbm>> -> memref<10000xf32, #tpu.memory_space<hbm>>
    tpu.enqueue_dma source(%dma_start3A_11 : memref<10000xf32, #tpu.memory_space<hbm>>) target(%arg5 : memref<10000xf32, #tpu.memory_space<vmem>>) target_semaphore(%arg11 : memref<!tpu.dma_semaphore, #tpu.memory_space<semaphore_mem>>)
    %add3A_12 = arith.constant 20000 : i32
    %add3A_13 = arith.addi %mul3A_4, %add3A_12 : i32
    %dma_start3A_14 = tpu.memref_slice %arg2[%add3A_13] : memref<3200000xf32, #tpu.memory_space<hbm>> -> memref<10000xf32, #tpu.memory_space<hbm>>
    %dma_start3A_15 = tpu.memref_slice %arg2[%add3A_13] : memref<3200000xf32, #tpu.memory_space<hbm>> -> memref<10000xf32, #tpu.memory_space<hbm>>
    tpu.enqueue_dma source(%dma_start3A_15 : memref<10000xf32, #tpu.memory_space<hbm>>) target(%arg6 : memref<10000xf32, #tpu.memory_space<vmem>>) target_semaphore(%arg12 : memref<!tpu.dma_semaphore, #tpu.memory_space<semaphore_mem>>)
    %add3A_16 = arith.constant 30000 : i32
    %add3A_17 = arith.addi %mul3A_4, %add3A_16 : i32
    %dma_start3A_18 = tpu.memref_slice %arg2[%add3A_17] : memref<3200000xf32, #tpu.memory_space<hbm>> -> memref<10000xf32, #tpu.memory_space<hbm>>
    %dma_start3A_19 = tpu.memref_slice %arg2[%add3A_17] : memref<3200000xf32, #tpu.memory_space<hbm>> -> memref<10000xf32, #tpu.memory_space<hbm>>
    tpu.enqueue_dma source(%dma_start3A_19 : memref<10000xf32, #tpu.memory_space<hbm>>) target(%arg7 : memref<10000xf32, #tpu.memory_space<vmem>>) target_semaphore(%arg13 : memref<!tpu.dma_semaphore, #tpu.memory_space<semaphore_mem>>)
    %iota3A = tpu.iota {dimensions = array<i32: 0>} : vector<16xi32>
    %broadcast_in_dim3A = arith.constant 0 : i32
    %broadcast_in_dim3A_20 = vector.broadcast %broadcast_in_dim3A : i32 to vector<16xi32>
    %broadcast_in_dim3A_21 = arith.constant 0xFF800000 : f32
    %broadcast_in_dim3A_22 = vector.broadcast %broadcast_in_dim3A_21 : f32 to vector<16xf32>
    %broadcast_in_dim3A_23 = arith.constant 0 : i32
    %broadcast_in_dim3A_24 = vector.broadcast %broadcast_in_dim3A_23 : i32 to vector<16xi32>
    %dma_wait3A = arith.constant 0 : i32
    %dma_wait3A_25 = tpu.memref_slice %arg2[%dma_wait3A] : memref<3200000xf32, #tpu.memory_space<hbm>> -> memref<10000xf32, #tpu.memory_space<hbm>>
    %dma_wait3A_26 = arith.constant 0 : i32
    %dma_wait3A_27 = tpu.memref_slice %arg2[%dma_wait3A_26] : memref<3200000xf32, #tpu.memory_space<hbm>> -> memref<10000xf32, #tpu.memory_space<hbm>>
    tpu.wait_dma2 semaphore(%arg10 : memref<!tpu.dma_semaphore, #tpu.memory_space<semaphore_mem>>) src(%dma_wait3A_27 : memref<10000xf32, #tpu.memory_space<hbm>>) dst(%arg4 : memref<10000xf32, #tpu.memory_space<vmem>>)
    %scan3A = arith.constant 0 : i32
    %scan3A_28 = arith.constant 125 : i32
    %scan3A_29 = arith.addi %scan3A, %scan3A_28 : i32
    %scan3A_30 = arith.constant 1 : i32
    %scan3A_31:5 = scf.for %scan3A_723 = %scan3A to %scan3A_29 step %scan3A_30 iter_args(%scan3A_724 = %broadcast_in_dim3A_22, %scan3A_725 = %broadcast_in_dim3A_22, %scan3A_726 = %broadcast_in_dim3A_22, %scan3A_727 = %broadcast_in_dim3A_22, %scan3A_728 = %broadcast_in_dim3A_22) -> (vector<16xf32>, vector<16xf32>, vector<16xf32>, vector<16xf32>, vector<16xf32>)  : i32 {
      %mul3A_729 = arith.constant 80 : i32
      %mul3A_730 = arith.muli %scan3A_723, %mul3A_729 : i32
      %add3A_731 = arith.constant 0 : i32
      %add3A_732 = arith.addi %add3A_731, %mul3A_730 : i32
      %add3A_733 = arith.constant 0 : i32
      %add3A_734 = arith.addi %add3A_732, %add3A_733 : i32
      %get3A = arith.index_cast %add3A_734 : i32 to index
      %get3A_735 = tpu.vector_load %arg4[%get3A] {strides = array<i32>} : memref<10000xf32, #tpu.memory_space<vmem>>, vector<16xf32>,
      %get3A_736 = vector.shape_cast %get3A_735 : vector<16xf32> to vector<16xf32>
      %max3A_737 = arith.maximumf %scan3A_724, %get3A_736 : vector<16xf32>
      %add3A_738 = arith.constant 16 : i32
      %add3A_739 = arith.addi %add3A_732, %add3A_738 : i32
      %get3A_740 = arith.index_cast %add3A_739 : i32 to index
      %get3A_741 = tpu.vector_load %arg4[%get3A_740] {strides = array<i32>} : memref<10000xf32, #tpu.memory_space<vmem>>, vector<16xf32>,
      %get3A_742 = vector.shape_cast %get3A_741 : vector<16xf32> to vector<16xf32>
      %max3A_743 = arith.maximumf %scan3A_725, %get3A_742 : vector<16xf32>
      %add3A_744 = arith.constant 32 : i32
      %add3A_745 = arith.addi %add3A_732, %add3A_744 : i32
      %get3A_746 = arith.index_cast %add3A_745 : i32 to index
      %get3A_747 = tpu.vector_load %arg4[%get3A_746] {strides = array<i32>} : memref<10000xf32, #tpu.memory_space<vmem>>, vector<16xf32>,
      %get3A_748 = vector.shape_cast %get3A_747 : vector<16xf32> to vector<16xf32>
      %max3A_749 = arith.maximumf %scan3A_726, %get3A_748 : vector<16xf32>
      %add3A_750 = arith.constant 48 : i32
      %add3A_751 = arith.addi %add3A_732, %add3A_750 : i32
      %get3A_752 = arith.index_cast %add3A_751 : i32 to index
      %get3A_753 = tpu.vector_load %arg4[%get3A_752] {strides = array<i32>} : memref<10000xf32, #tpu.memory_space<vmem>>, vector<16xf32>,
      %get3A_754 = vector.shape_cast %get3A_753 : vector<16xf32> to vector<16xf32>
      %max3A_755 = arith.maximumf %scan3A_727, %get3A_754 : vector<16xf32>
      %add3A_756 = arith.constant 64 : i32
      %add3A_757 = arith.addi %add3A_732, %add3A_756 : i32
      %get3A_758 = arith.index_cast %add3A_757 : i32 to index
      %get3A_759 = tpu.vector_load %arg4[%get3A_758] {strides = array<i32>} : memref<10000xf32, #tpu.memory_space<vmem>>, vector<16xf32>,
      %get3A_760 = vector.shape_cast %get3A_759 : vector<16xf32> to vector<16xf32>
      %max3A_761 = arith.maximumf %scan3A_728, %get3A_760 : vector<16xf32>
      scf.yield %max3A_737, %max3A_743, %max3A_749, %max3A_755, %max3A_761 : vector<16xf32>, vector<16xf32>, vector<16xf32>, vector<16xf32>, vector<16xf32>
    }
    %scan3A_32 = arith.constant 125 : i32
    %add3A_33 = arith.constant 40000 : i32
    %add3A_34 = arith.addi %mul3A_4, %add3A_33 : i32
    %dma_start3A_35 = tpu.memref_slice %arg2[%add3A_34] : memref<3200000xf32, #tpu.memory_space<hbm>> -> memref<10000xf32, #tpu.memory_space<hbm>>
    %dma_start3A_36 = tpu.memref_slice %arg2[%add3A_34] : memref<3200000xf32, #tpu.memory_space<hbm>> -> memref<10000xf32, #tpu.memory_space<hbm>>
    tpu.enqueue_dma source(%dma_start3A_36 : memref<10000xf32, #tpu.memory_space<hbm>>) target(%arg4 : memref<10000xf32, #tpu.memory_space<vmem>>) target_semaphore(%arg10 : memref<!tpu.dma_semaphore, #tpu.memory_space<semaphore_mem>>)
    %max3A = arith.maximumf %scan3A_31#0, %scan3A_31#1 : vector<16xf32>
    %max3A_37 = arith.maximumf %max3A, %scan3A_31#2 : vector<16xf32>
    %max3A_38 = arith.maximumf %max3A_37, %scan3A_31#3 : vector<16xf32>
    %max3A_39 = arith.maximumf %max3A_38, %scan3A_31#4 : vector<16xf32>
    %xor3A = arith.constant 8 : i32
    %xor3A_40 = vector.broadcast %xor3A : i32 to vector<16xi32>
    %xor3A_41 = arith.xori %iota3A, %xor3A_40 : vector<16xi32>
    %broadcast_in_dim3A_42 = vector.shape_cast %xor3A_41 : vector<16xi32> to vector<16x1xi32>
    %gather3A = vector.shape_cast %broadcast_in_dim3A_42 : vector<16x1xi32> to vector<16xi32>
    %gather3A_43 = tpu.dynamic_gather %max3A_39[%gather3A] in [0] : vector<16xf32>, vector<16xi32> -> vector<16xf32>
    %max3A_44 = arith.maximumf %max3A_39, %gather3A_43 : vector<16xf32>
    %xor3A_45 = arith.constant 4 : i32
    %xor3A_46 = vector.broadcast %xor3A_45 : i32 to vector<16xi32>
    %xor3A_47 = arith.xori %iota3A, %xor3A_46 : vector<16xi32>
    %broadcast_in_dim3A_48 = vector.shape_cast %xor3A_47 : vector<16xi32> to vector<16x1xi32>
    %gather3A_49 = vector.shape_cast %broadcast_in_dim3A_48 : vector<16x1xi32> to vector<16xi32>
    %gather3A_50 = tpu.dynamic_gather %max3A_44[%gather3A_49] in [0] : vector<16xf32>, vector<16xi32> -> vector<16xf32>
    %max3A_51 = arith.maximumf %max3A_44, %gather3A_50 : vector<16xf32>
    %xor3A_52 = arith.constant 2 : i32
    %xor3A_53 = vector.broadcast %xor3A_52 : i32 to vector<16xi32>
    %xor3A_54 = arith.xori %iota3A, %xor3A_53 : vector<16xi32>
    %broadcast_in_dim3A_55 = vector.shape_cast %xor3A_54 : vector<16xi32> to vector<16x1xi32>
    %gather3A_56 = vector.shape_cast %broadcast_in_dim3A_55 : vector<16x1xi32> to vector<16xi32>
    %gather3A_57 = tpu.dynamic_gather %max3A_51[%gather3A_56] in [0] : vector<16xf32>, vector<16xi32> -> vector<16xf32>
    %max3A_58 = arith.maximumf %max3A_51, %gather3A_57 : vector<16xf32>
    %xor3A_59 = arith.constant 1 : i32
    %xor3A_60 = vector.broadcast %xor3A_59 : i32 to vector<16xi32>
    %xor3A_61 = arith.xori %iota3A, %xor3A_60 : vector<16xi32>
    %broadcast_in_dim3A_62 = vector.shape_cast %xor3A_61 : vector<16xi32> to vector<16x1xi32>
    %gather3A_63 = vector.shape_cast %broadcast_in_dim3A_62 : vector<16x1xi32> to vector<16xi32>
    %gather3A_64 = tpu.dynamic_gather %max3A_58[%gather3A_63] in [0] : vector<16xf32>, vector<16xi32> -> vector<16xf32>
    %max3A_65 = arith.maximumf %max3A_58, %gather3A_64 : vector<16xf32>
    %eq3A = arith.constant 0 : i32
    %eq3A_66 = vector.broadcast %eq3A : i32 to vector<16xi32>
    %eq3A_67 = arith.cmpi eq, %iota3A, %eq3A_66 : vector<16xi32>
    %select_n3A = arith.select %eq3A_67, %max3A_65, %broadcast_in_dim3A_22 : vector<16xi1>, vector<16xf32>
    %dma_wait3A_68 = arith.constant 0 : i32
    %dma_wait3A_69 = tpu.memref_slice %arg2[%dma_wait3A_68] : memref<3200000xf32, #tpu.memory_space<hbm>> -> memref<10000xf32, #tpu.memory_space<hbm>>
    %dma_wait3A_70 = arith.constant 0 : i32
    %dma_wait3A_71 = tpu.memref_slice %arg2[%dma_wait3A_70] : memref<3200000xf32, #tpu.memory_space<hbm>> -> memref<10000xf32, #tpu.memory_space<hbm>>
    tpu.wait_dma2 semaphore(%arg11 : memref<!tpu.dma_semaphore, #tpu.memory_space<semaphore_mem>>) src(%dma_wait3A_71 : memref<10000xf32, #tpu.memory_space<hbm>>) dst(%arg5 : memref<10000xf32, #tpu.memory_space<vmem>>)
    %scan3A_72 = arith.constant 0 : i32
    %scan3A_73 = arith.constant 125 : i32
    %scan3A_74 = arith.addi %scan3A_72, %scan3A_73 : i32
    %scan3A_75 = arith.constant 1 : i32
    %scan3A_76:5 = scf.for %scan3A_723 = %scan3A_72 to %scan3A_74 step %scan3A_75 iter_args(%scan3A_724 = %broadcast_in_dim3A_22, %scan3A_725 = %broadcast_in_dim3A_22, %scan3A_726 = %broadcast_in_dim3A_22, %scan3A_727 = %broadcast_in_dim3A_22, %scan3A_728 = %broadcast_in_dim3A_22) -> (vector<16xf32>, vector<16xf32>, vector<16xf32>, vector<16xf32>, vector<16xf32>)  : i32 {
      %mul3A_729 = arith.constant 80 : i32
      %mul3A_730 = arith.muli %scan3A_723, %mul3A_729 : i32
      %add3A_731 = arith.constant 0 : i32
      %add3A_732 = arith.addi %add3A_731, %mul3A_730 : i32
      %add3A_733 = arith.constant 0 : i32
      %add3A_734 = arith.addi %add3A_732, %add3A_733 : i32
      %get3A = arith.index_cast %add3A_734 : i32 to index
      %get3A_735 = tpu.vector_load %arg5[%get3A] {strides = array<i32>} : memref<10000xf32, #tpu.memory_space<vmem>>, vector<16xf32>,
      %get3A_736 = vector.shape_cast %get3A_735 : vector<16xf32> to vector<16xf32>
      %max3A_737 = arith.maximumf %scan3A_724, %get3A_736 : vector<16xf32>
      %add3A_738 = arith.constant 16 : i32
      %add3A_739 = arith.addi %add3A_732, %add3A_738 : i32
      %get3A_740 = arith.index_cast %add3A_739 : i32 to index
      %get3A_741 = tpu.vector_load %arg5[%get3A_740] {strides = array<i32>} : memref<10000xf32, #tpu.memory_space<vmem>>, vector<16xf32>,
      %get3A_742 = vector.shape_cast %get3A_741 : vector<16xf32> to vector<16xf32>
      %max3A_743 = arith.maximumf %scan3A_725, %get3A_742 : vector<16xf32>
      %add3A_744 = arith.constant 32 : i32
      %add3A_745 = arith.addi %add3A_732, %add3A_744 : i32
      %get3A_746 = arith.index_cast %add3A_745 : i32 to index
      %get3A_747 = tpu.vector_load %arg5[%get3A_746] {strides = array<i32>} : memref<10000xf32, #tpu.memory_space<vmem>>, vector<16xf32>,
      %get3A_748 = vector.shape_cast %get3A_747 : vector<16xf32> to vector<16xf32>
      %max3A_749 = arith.maximumf %scan3A_726, %get3A_748 : vector<16xf32>
      %add3A_750 = arith.constant 48 : i32
      %add3A_751 = arith.addi %add3A_732, %add3A_750 : i32
      %get3A_752 = arith.index_cast %add3A_751 : i32 to index
      %get3A_753 = tpu.vector_load %arg5[%get3A_752] {strides = array<i32>} : memref<10000xf32, #tpu.memory_space<vmem>>, vector<16xf32>,
      %get3A_754 = vector.shape_cast %get3A_753 : vector<16xf32> to vector<16xf32>
      %max3A_755 = arith.maximumf %scan3A_727, %get3A_754 : vector<16xf32>
      %add3A_756 = arith.constant 64 : i32
      %add3A_757 = arith.addi %add3A_732, %add3A_756 : i32
      %get3A_758 = arith.index_cast %add3A_757 : i32 to index
      %get3A_759 = tpu.vector_load %arg5[%get3A_758] {strides = array<i32>} : memref<10000xf32, #tpu.memory_space<vmem>>, vector<16xf32>,
      %get3A_760 = vector.shape_cast %get3A_759 : vector<16xf32> to vector<16xf32>
      %max3A_761 = arith.maximumf %scan3A_728, %get3A_760 : vector<16xf32>
      scf.yield %max3A_737, %max3A_743, %max3A_749, %max3A_755, %max3A_761 : vector<16xf32>, vector<16xf32>, vector<16xf32>, vector<16xf32>, vector<16xf32>
    }
    %scan3A_77 = arith.constant 125 : i32
    %add3A_78 = arith.constant 50000 : i32
    %add3A_79 = arith.addi %mul3A_4, %add3A_78 : i32
    %dma_start3A_80 = tpu.memref_slice %arg2[%add3A_79] : memref<3200000xf32, #tpu.memory_space<hbm>> -> memref<10000xf32, #tpu.memory_space<hbm>>
    %dma_start3A_81 = tpu.memref_slice %arg2[%add3A_79] : memref<3200000xf32, #tpu.memory_space<hbm>> -> memref<10000xf32, #tpu.memory_space<hbm>>
    tpu.enqueue_dma source(%dma_start3A_81 : memref<10000xf32, #tpu.memory_space<hbm>>) target(%arg5 : memref<10000xf32, #tpu.memory_space<vmem>>) target_semaphore(%arg11 : memref<!tpu.dma_semaphore, #tpu.memory_space<semaphore_mem>>)
    %max3A_82 = arith.maximumf %scan3A_76#0, %scan3A_76#1 : vector<16xf32>
    %max3A_83 = arith.maximumf %max3A_82, %scan3A_76#2 : vector<16xf32>
    %max3A_84 = arith.maximumf %max3A_83, %scan3A_76#3 : vector<16xf32>
    %max3A_85 = arith.maximumf %max3A_84, %scan3A_76#4 : vector<16xf32>
    %xor3A_86 = arith.constant 8 : i32
    %xor3A_87 = vector.broadcast %xor3A_86 : i32 to vector<16xi32>
    %xor3A_88 = arith.xori %iota3A, %xor3A_87 : vector<16xi32>
    %broadcast_in_dim3A_89 = vector.shape_cast %xor3A_88 : vector<16xi32> to vector<16x1xi32>
    %gather3A_90 = vector.shape_cast %broadcast_in_dim3A_89 : vector<16x1xi32> to vector<16xi32>
    %gather3A_91 = tpu.dynamic_gather %max3A_85[%gather3A_90] in [0] : vector<16xf32>, vector<16xi32> -> vector<16xf32>
    %max3A_92 = arith.maximumf %max3A_85, %gather3A_91 : vector<16xf32>
    %xor3A_93 = arith.constant 4 : i32
    %xor3A_94 = vector.broadcast %xor3A_93 : i32 to vector<16xi32>
    %xor3A_95 = arith.xori %iota3A, %xor3A_94 : vector<16xi32>
    %broadcast_in_dim3A_96 = vector.shape_cast %xor3A_95 : vector<16xi32> to vector<16x1xi32>
    %gather3A_97 = vector.shape_cast %broadcast_in_dim3A_96 : vector<16x1xi32> to vector<16xi32>
    %gather3A_98 = tpu.dynamic_gather %max3A_92[%gather3A_97] in [0] : vector<16xf32>, vector<16xi32> -> vector<16xf32>
    %max3A_99 = arith.maximumf %max3A_92, %gather3A_98 : vector<16xf32>
    %xor3A_100 = arith.constant 2 : i32
    %xor3A_101 = vector.broadcast %xor3A_100 : i32 to vector<16xi32>
    %xor3A_102 = arith.xori %iota3A, %xor3A_101 : vector<16xi32>
    %broadcast_in_dim3A_103 = vector.shape_cast %xor3A_102 : vector<16xi32> to vector<16x1xi32>
    %gather3A_104 = vector.shape_cast %broadcast_in_dim3A_103 : vector<16x1xi32> to vector<16xi32>
    %gather3A_105 = tpu.dynamic_gather %max3A_99[%gather3A_104] in [0] : vector<16xf32>, vector<16xi32> -> vector<16xf32>
    %max3A_106 = arith.maximumf %max3A_99, %gather3A_105 : vector<16xf32>
    %xor3A_107 = arith.constant 1 : i32
    %xor3A_108 = vector.broadcast %xor3A_107 : i32 to vector<16xi32>
    %xor3A_109 = arith.xori %iota3A, %xor3A_108 : vector<16xi32>
    %broadcast_in_dim3A_110 = vector.shape_cast %xor3A_109 : vector<16xi32> to vector<16x1xi32>
    %gather3A_111 = vector.shape_cast %broadcast_in_dim3A_110 : vector<16x1xi32> to vector<16xi32>
    %gather3A_112 = tpu.dynamic_gather %max3A_106[%gather3A_111] in [0] : vector<16xf32>, vector<16xi32> -> vector<16xf32>
    %max3A_113 = arith.maximumf %max3A_106, %gather3A_112 : vector<16xf32>
    %eq3A_114 = arith.constant 1 : i32
    %eq3A_115 = vector.broadcast %eq3A_114 : i32 to vector<16xi32>
    %eq3A_116 = arith.cmpi eq, %iota3A, %eq3A_115 : vector<16xi32>
    %select_n3A_117 = arith.select %eq3A_116, %max3A_113, %select_n3A : vector<16xi1>, vector<16xf32>
    %dma_wait3A_118 = arith.constant 0 : i32
    %dma_wait3A_119 = tpu.memref_slice %arg2[%dma_wait3A_118] : memref<3200000xf32, #tpu.memory_space<hbm>> -> memref<10000xf32, #tpu.memory_space<hbm>>
    %dma_wait3A_120 = arith.constant 0 : i32
    %dma_wait3A_121 = tpu.memref_slice %arg2[%dma_wait3A_120] : memref<3200000xf32, #tpu.memory_space<hbm>> -> memref<10000xf32, #tpu.memory_space<hbm>>
    tpu.wait_dma2 semaphore(%arg12 : memref<!tpu.dma_semaphore, #tpu.memory_space<semaphore_mem>>) src(%dma_wait3A_121 : memref<10000xf32, #tpu.memory_space<hbm>>) dst(%arg6 : memref<10000xf32, #tpu.memory_space<vmem>>)
    %scan3A_122 = arith.constant 0 : i32
    %scan3A_123 = arith.constant 125 : i32
    %scan3A_124 = arith.addi %scan3A_122, %scan3A_123 : i32
    %scan3A_125 = arith.constant 1 : i32
    %scan3A_126:5 = scf.for %scan3A_723 = %scan3A_122 to %scan3A_124 step %scan3A_125 iter_args(%scan3A_724 = %broadcast_in_dim3A_22, %scan3A_725 = %broadcast_in_dim3A_22, %scan3A_726 = %broadcast_in_dim3A_22, %scan3A_727 = %broadcast_in_dim3A_22, %scan3A_728 = %broadcast_in_dim3A_22) -> (vector<16xf32>, vector<16xf32>, vector<16xf32>, vector<16xf32>, vector<16xf32>)  : i32 {
      %mul3A_729 = arith.constant 80 : i32
      %mul3A_730 = arith.muli %scan3A_723, %mul3A_729 : i32
      %add3A_731 = arith.constant 0 : i32
      %add3A_732 = arith.addi %add3A_731, %mul3A_730 : i32
      %add3A_733 = arith.constant 0 : i32
      %add3A_734 = arith.addi %add3A_732, %add3A_733 : i32
      %get3A = arith.index_cast %add3A_734 : i32 to index
      %get3A_735 = tpu.vector_load %arg6[%get3A] {strides = array<i32>} : memref<10000xf32, #tpu.memory_space<vmem>>, vector<16xf32>,
      %get3A_736 = vector.shape_cast %get3A_735 : vector<16xf32> to vector<16xf32>
      %max3A_737 = arith.maximumf %scan3A_724, %get3A_736 : vector<16xf32>
      %add3A_738 = arith.constant 16 : i32
      %add3A_739 = arith.addi %add3A_732, %add3A_738 : i32
      %get3A_740 = arith.index_cast %add3A_739 : i32 to index
      %get3A_741 = tpu.vector_load %arg6[%get3A_740] {strides = array<i32>} : memref<10000xf32, #tpu.memory_space<vmem>>, vector<16xf32>,
      %get3A_742 = vector.shape_cast %get3A_741 : vector<16xf32> to vector<16xf32>
      %max3A_743 = arith.maximumf %scan3A_725, %get3A_742 : vector<16xf32>
      %add3A_744 = arith.constant 32 : i32
      %add3A_745 = arith.addi %add3A_732, %add3A_744 : i32
      %get3A_746 = arith.index_cast %add3A_745 : i32 to index
      %get3A_747 = tpu.vector_load %arg6[%get3A_746] {strides = array<i32>} : memref<10000xf32, #tpu.memory_space<vmem>>, vector<16xf32>,
      %get3A_748 = vector.shape_cast %get3A_747 : vector<16xf32> to vector<16xf32>
      %max3A_749 = arith.maximumf %scan3A_726, %get3A_748 : vector<16xf32>
      %add3A_750 = arith.constant 48 : i32
      %add3A_751 = arith.addi %add3A_732, %add3A_750 : i32
      %get3A_752 = arith.index_cast %add3A_751 : i32 to index
      %get3A_753 = tpu.vector_load %arg6[%get3A_752] {strides = array<i32>} : memref<10000xf32, #tpu.memory_space<vmem>>, vector<16xf32>,
      %get3A_754 = vector.shape_cast %get3A_753 : vector<16xf32> to vector<16xf32>
      %max3A_755 = arith.maximumf %scan3A_727, %get3A_754 : vector<16xf32>
      %add3A_756 = arith.constant 64 : i32
      %add3A_757 = arith.addi %add3A_732, %add3A_756 : i32
      %get3A_758 = arith.index_cast %add3A_757 : i32 to index
      %get3A_759 = tpu.vector_load %arg6[%get3A_758] {strides = array<i32>} : memref<10000xf32, #tpu.memory_space<vmem>>, vector<16xf32>,
      %get3A_760 = vector.shape_cast %get3A_759 : vector<16xf32> to vector<16xf32>
      %max3A_761 = arith.maximumf %scan3A_728, %get3A_760 : vector<16xf32>
      scf.yield %max3A_737, %max3A_743, %max3A_749, %max3A_755, %max3A_761 : vector<16xf32>, vector<16xf32>, vector<16xf32>, vector<16xf32>, vector<16xf32>
    }
    %scan3A_127 = arith.constant 125 : i32
    %add3A_128 = arith.constant 60000 : i32
    %add3A_129 = arith.addi %mul3A_4, %add3A_128 : i32
    %dma_start3A_130 = tpu.memref_slice %arg2[%add3A_129] : memref<3200000xf32, #tpu.memory_space<hbm>> -> memref<10000xf32, #tpu.memory_space<hbm>>
    %dma_start3A_131 = tpu.memref_slice %arg2[%add3A_129] : memref<3200000xf32, #tpu.memory_space<hbm>> -> memref<10000xf32, #tpu.memory_space<hbm>>
    tpu.enqueue_dma source(%dma_start3A_131 : memref<10000xf32, #tpu.memory_space<hbm>>) target(%arg6 : memref<10000xf32, #tpu.memory_space<vmem>>) target_semaphore(%arg12 : memref<!tpu.dma_semaphore, #tpu.memory_space<semaphore_mem>>)
    %max3A_132 = arith.maximumf %scan3A_126#0, %scan3A_126#1 : vector<16xf32>
    %max3A_133 = arith.maximumf %max3A_132, %scan3A_126#2 : vector<16xf32>
    %max3A_134 = arith.maximumf %max3A_133, %scan3A_126#3 : vector<16xf32>
    %max3A_135 = arith.maximumf %max3A_134, %scan3A_126#4 : vector<16xf32>
    %xor3A_136 = arith.constant 8 : i32
    %xor3A_137 = vector.broadcast %xor3A_136 : i32 to vector<16xi32>
    %xor3A_138 = arith.xori %iota3A, %xor3A_137 : vector<16xi32>
    %broadcast_in_dim3A_139 = vector.shape_cast %xor3A_138 : vector<16xi32> to vector<16x1xi32>
    %gather3A_140 = vector.shape_cast %broadcast_in_dim3A_139 : vector<16x1xi32> to vector<16xi32>
    %gather3A_141 = tpu.dynamic_gather %max3A_135[%gather3A_140] in [0] : vector<16xf32>, vector<16xi32> -> vector<16xf32>
    %max3A_142 = arith.maximumf %max3A_135, %gather3A_141 : vector<16xf32>
    %xor3A_143 = arith.constant 4 : i32
    %xor3A_144 = vector.broadcast %xor3A_143 : i32 to vector<16xi32>
    %xor3A_145 = arith.xori %iota3A, %xor3A_144 : vector<16xi32>
    %broadcast_in_dim3A_146 = vector.shape_cast %xor3A_145 : vector<16xi32> to vector<16x1xi32>
    %gather3A_147 = vector.shape_cast %broadcast_in_dim3A_146 : vector<16x1xi32> to vector<16xi32>
    %gather3A_148 = tpu.dynamic_gather %max3A_142[%gather3A_147] in [0] : vector<16xf32>, vector<16xi32> -> vector<16xf32>
    %max3A_149 = arith.maximumf %max3A_142, %gather3A_148 : vector<16xf32>
    %xor3A_150 = arith.constant 2 : i32
    %xor3A_151 = vector.broadcast %xor3A_150 : i32 to vector<16xi32>
    %xor3A_152 = arith.xori %iota3A, %xor3A_151 : vector<16xi32>
    %broadcast_in_dim3A_153 = vector.shape_cast %xor3A_152 : vector<16xi32> to vector<16x1xi32>
    %gather3A_154 = vector.shape_cast %broadcast_in_dim3A_153 : vector<16x1xi32> to vector<16xi32>
    %gather3A_155 = tpu.dynamic_gather %max3A_149[%gather3A_154] in [0] : vector<16xf32>, vector<16xi32> -> vector<16xf32>
    %max3A_156 = arith.maximumf %max3A_149, %gather3A_155 : vector<16xf32>
    %xor3A_157 = arith.constant 1 : i32
    %xor3A_158 = vector.broadcast %xor3A_157 : i32 to vector<16xi32>
    %xor3A_159 = arith.xori %iota3A, %xor3A_158 : vector<16xi32>
    %broadcast_in_dim3A_160 = vector.shape_cast %xor3A_159 : vector<16xi32> to vector<16x1xi32>
    %gather3A_161 = vector.shape_cast %broadcast_in_dim3A_160 : vector<16x1xi32> to vector<16xi32>
    %gather3A_162 = tpu.dynamic_gather %max3A_156[%gather3A_161] in [0] : vector<16xf32>, vector<16xi32> -> vector<16xf32>
    %max3A_163 = arith.maximumf %max3A_156, %gather3A_162 : vector<16xf32>
    %eq3A_164 = arith.constant 2 : i32
    %eq3A_165 = vector.broadcast %eq3A_164 : i32 to vector<16xi32>
    %eq3A_166 = arith.cmpi eq, %iota3A, %eq3A_165 : vector<16xi32>
    %select_n3A_167 = arith.select %eq3A_166, %max3A_163, %select_n3A_117 : vector<16xi1>, vector<16xf32>
    %dma_wait3A_168 = arith.constant 0 : i32
    %dma_wait3A_169 = tpu.memref_slice %arg2[%dma_wait3A_168] : memref<3200000xf32, #tpu.memory_space<hbm>> -> memref<10000xf32, #tpu.memory_space<hbm>>
    %dma_wait3A_170 = arith.constant 0 : i32
    %dma_wait3A_171 = tpu.memref_slice %arg2[%dma_wait3A_170] : memref<3200000xf32, #tpu.memory_space<hbm>> -> memref<10000xf32, #tpu.memory_space<hbm>>
    tpu.wait_dma2 semaphore(%arg13 : memref<!tpu.dma_semaphore, #tpu.memory_space<semaphore_mem>>) src(%dma_wait3A_171 : memref<10000xf32, #tpu.memory_space<hbm>>) dst(%arg7 : memref<10000xf32, #tpu.memory_space<vmem>>)
    %scan3A_172 = arith.constant 0 : i32
    %scan3A_173 = arith.constant 125 : i32
    %scan3A_174 = arith.addi %scan3A_172, %scan3A_173 : i32
    %scan3A_175 = arith.constant 1 : i32
    %scan3A_176:5 = scf.for %scan3A_723 = %scan3A_172 to %scan3A_174 step %scan3A_175 iter_args(%scan3A_724 = %broadcast_in_dim3A_22, %scan3A_725 = %broadcast_in_dim3A_22, %scan3A_726 = %broadcast_in_dim3A_22, %scan3A_727 = %broadcast_in_dim3A_22, %scan3A_728 = %broadcast_in_dim3A_22) -> (vector<16xf32>, vector<16xf32>, vector<16xf32>, vector<16xf32>, vector<16xf32>)  : i32 {
      %mul3A_729 = arith.constant 80 : i32
      %mul3A_730 = arith.muli %scan3A_723, %mul3A_729 : i32
      %add3A_731 = arith.constant 0 : i32
      %add3A_732 = arith.addi %add3A_731, %mul3A_730 : i32
      %add3A_733 = arith.constant 0 : i32
      %add3A_734 = arith.addi %add3A_732, %add3A_733 : i32
      %get3A = arith.index_cast %add3A_734 : i32 to index
      %get3A_735 = tpu.vector_load %arg7[%get3A] {strides = array<i32>} : memref<10000xf32, #tpu.memory_space<vmem>>, vector<16xf32>,
      %get3A_736 = vector.shape_cast %get3A_735 : vector<16xf32> to vector<16xf32>
      %max3A_737 = arith.maximumf %scan3A_724, %get3A_736 : vector<16xf32>
      %add3A_738 = arith.constant 16 : i32
      %add3A_739 = arith.addi %add3A_732, %add3A_738 : i32
      %get3A_740 = arith.index_cast %add3A_739 : i32 to index
      %get3A_741 = tpu.vector_load %arg7[%get3A_740] {strides = array<i32>} : memref<10000xf32, #tpu.memory_space<vmem>>, vector<16xf32>,
      %get3A_742 = vector.shape_cast %get3A_741 : vector<16xf32> to vector<16xf32>
      %max3A_743 = arith.maximumf %scan3A_725, %get3A_742 : vector<16xf32>
      %add3A_744 = arith.constant 32 : i32
      %add3A_745 = arith.addi %add3A_732, %add3A_744 : i32
      %get3A_746 = arith.index_cast %add3A_745 : i32 to index
      %get3A_747 = tpu.vector_load %arg7[%get3A_746] {strides = array<i32>} : memref<10000xf32, #tpu.memory_space<vmem>>, vector<16xf32>,
      %get3A_748 = vector.shape_cast %get3A_747 : vector<16xf32> to vector<16xf32>
      %max3A_749 = arith.maximumf %scan3A_726, %get3A_748 : vector<16xf32>
      %add3A_750 = arith.constant 48 : i32
      %add3A_751 = arith.addi %add3A_732, %add3A_750 : i32
      %get3A_752 = arith.index_cast %add3A_751 : i32 to index
      %get3A_753 = tpu.vector_load %arg7[%get3A_752] {strides = array<i32>} : memref<10000xf32, #tpu.memory_space<vmem>>, vector<16xf32>,
      %get3A_754 = vector.shape_cast %get3A_753 : vector<16xf32> to vector<16xf32>
      %max3A_755 = arith.maximumf %scan3A_727, %get3A_754 : vector<16xf32>
      %add3A_756 = arith.constant 64 : i32
      %add3A_757 = arith.addi %add3A_732, %add3A_756 : i32
      %get3A_758 = arith.index_cast %add3A_757 : i32 to index
      %get3A_759 = tpu.vector_load %arg7[%get3A_758] {strides = array<i32>} : memref<10000xf32, #tpu.memory_space<vmem>>, vector<16xf32>,
      %get3A_760 = vector.shape_cast %get3A_759 : vector<16xf32> to vector<16xf32>
      %max3A_761 = arith.maximumf %scan3A_728, %get3A_760 : vector<16xf32>
      scf.yield %max3A_737, %max3A_743, %max3A_749, %max3A_755, %max3A_761 : vector<16xf32>, vector<16xf32>, vector<16xf32>, vector<16xf32>, vector<16xf32>
    }
    %scan3A_177 = arith.constant 125 : i32
    %add3A_178 = arith.constant 70000 : i32
    %add3A_179 = arith.addi %mul3A_4, %add3A_178 : i32
    %dma_start3A_180 = tpu.memref_slice %arg2[%add3A_179] : memref<3200000xf32, #tpu.memory_space<hbm>> -> memref<10000xf32, #tpu.memory_space<hbm>>
    %dma_start3A_181 = tpu.memref_slice %arg2[%add3A_179] : memref<3200000xf32, #tpu.memory_space<hbm>> -> memref<10000xf32, #tpu.memory_space<hbm>>
    tpu.enqueue_dma source(%dma_start3A_181 : memref<10000xf32, #tpu.memory_space<hbm>>) target(%arg7 : memref<10000xf32, #tpu.memory_space<vmem>>) target_semaphore(%arg13 : memref<!tpu.dma_semaphore, #tpu.memory_space<semaphore_mem>>)
    %max3A_182 = arith.maximumf %scan3A_176#0, %scan3A_176#1 : vector<16xf32>
    %max3A_183 = arith.maximumf %max3A_182, %scan3A_176#2 : vector<16xf32>
    %max3A_184 = arith.maximumf %max3A_183, %scan3A_176#3 : vector<16xf32>
    %max3A_185 = arith.maximumf %max3A_184, %scan3A_176#4 : vector<16xf32>
    %xor3A_186 = arith.constant 8 : i32
    %xor3A_187 = vector.broadcast %xor3A_186 : i32 to vector<16xi32>
    %xor3A_188 = arith.xori %iota3A, %xor3A_187 : vector<16xi32>
    %broadcast_in_dim3A_189 = vector.shape_cast %xor3A_188 : vector<16xi32> to vector<16x1xi32>
    %gather3A_190 = vector.shape_cast %broadcast_in_dim3A_189 : vector<16x1xi32> to vector<16xi32>
    %gather3A_191 = tpu.dynamic_gather %max3A_185[%gather3A_190] in [0] : vector<16xf32>, vector<16xi32> -> vector<16xf32>
    %max3A_192 = arith.maximumf %max3A_185, %gather3A_191 : vector<16xf32>
    %xor3A_193 = arith.constant 4 : i32
    %xor3A_194 = vector.broadcast %xor3A_193 : i32 to vector<16xi32>
    %xor3A_195 = arith.xori %iota3A, %xor3A_194 : vector<16xi32>
    %broadcast_in_dim3A_196 = vector.shape_cast %xor3A_195 : vector<16xi32> to vector<16x1xi32>
    %gather3A_197 = vector.shape_cast %broadcast_in_dim3A_196 : vector<16x1xi32> to vector<16xi32>
    %gather3A_198 = tpu.dynamic_gather %max3A_192[%gather3A_197] in [0] : vector<16xf32>, vector<16xi32> -> vector<16xf32>
    %max3A_199 = arith.maximumf %max3A_192, %gather3A_198 : vector<16xf32>
    %xor3A_200 = arith.constant 2 : i32
    %xor3A_201 = vector.broadcast %xor3A_200 : i32 to vector<16xi32>
    %xor3A_202 = arith.xori %iota3A, %xor3A_201 : vector<16xi32>
    %broadcast_in_dim3A_203 = vector.shape_cast %xor3A_202 : vector<16xi32> to vector<16x1xi32>
    %gather3A_204 = vector.shape_cast %broadcast_in_dim3A_203 : vector<16x1xi32> to vector<16xi32>
    %gather3A_205 = tpu.dynamic_gather %max3A_199[%gather3A_204] in [0] : vector<16xf32>, vector<16xi32> -> vector<16xf32>
    %max3A_206 = arith.maximumf %max3A_199, %gather3A_205 : vector<16xf32>
    %xor3A_207 = arith.constant 1 : i32
    %xor3A_208 = vector.broadcast %xor3A_207 : i32 to vector<16xi32>
    %xor3A_209 = arith.xori %iota3A, %xor3A_208 : vector<16xi32>
    %broadcast_in_dim3A_210 = vector.shape_cast %xor3A_209 : vector<16xi32> to vector<16x1xi32>
    %gather3A_211 = vector.shape_cast %broadcast_in_dim3A_210 : vector<16x1xi32> to vector<16xi32>
    %gather3A_212 = tpu.dynamic_gather %max3A_206[%gather3A_211] in [0] : vector<16xf32>, vector<16xi32> -> vector<16xf32>
    %max3A_213 = arith.maximumf %max3A_206, %gather3A_212 : vector<16xf32>
    %eq3A_214 = arith.constant 3 : i32
    %eq3A_215 = vector.broadcast %eq3A_214 : i32 to vector<16xi32>
    %eq3A_216 = arith.cmpi eq, %iota3A, %eq3A_215 : vector<16xi32>
    %select_n3A_217 = arith.select %eq3A_216, %max3A_213, %select_n3A_167 : vector<16xi1>, vector<16xf32>
    %dma_wait3A_218 = arith.constant 0 : i32
    %dma_wait3A_219 = tpu.memref_slice %arg2[%dma_wait3A_218] : memref<3200000xf32, #tpu.memory_space<hbm>> -> memref<10000xf32, #tpu.memory_space<hbm>>
    %dma_wait3A_220 = arith.constant 0 : i32
    %dma_wait3A_221 = tpu.memref_slice %arg2[%dma_wait3A_220] : memref<3200000xf32, #tpu.memory_space<hbm>> -> memref<10000xf32, #tpu.memory_space<hbm>>
    tpu.wait_dma2 semaphore(%arg10 : memref<!tpu.dma_semaphore, #tpu.memory_space<semaphore_mem>>) src(%dma_wait3A_221 : memref<10000xf32, #tpu.memory_space<hbm>>) dst(%arg4 : memref<10000xf32, #tpu.memory_space<vmem>>)
    %scan3A_222 = arith.constant 0 : i32
    %scan3A_223 = arith.constant 125 : i32
    %scan3A_224 = arith.addi %scan3A_222, %scan3A_223 : i32
    %scan3A_225 = arith.constant 1 : i32
    %scan3A_226:5 = scf.for %scan3A_723 = %scan3A_222 to %scan3A_224 step %scan3A_225 iter_args(%scan3A_724 = %broadcast_in_dim3A_22, %scan3A_725 = %broadcast_in_dim3A_22, %scan3A_726 = %broadcast_in_dim3A_22, %scan3A_727 = %broadcast_in_dim3A_22, %scan3A_728 = %broadcast_in_dim3A_22) -> (vector<16xf32>, vector<16xf32>, vector<16xf32>, vector<16xf32>, vector<16xf32>)  : i32 {
      %mul3A_729 = arith.constant 80 : i32
      %mul3A_730 = arith.muli %scan3A_723, %mul3A_729 : i32
      %add3A_731 = arith.constant 0 : i32
      %add3A_732 = arith.addi %add3A_731, %mul3A_730 : i32
      %add3A_733 = arith.constant 0 : i32
      %add3A_734 = arith.addi %add3A_732, %add3A_733 : i32
      %get3A = arith.index_cast %add3A_734 : i32 to index
      %get3A_735 = tpu.vector_load %arg4[%get3A] {strides = array<i32>} : memref<10000xf32, #tpu.memory_space<vmem>>, vector<16xf32>,
      %get3A_736 = vector.shape_cast %get3A_735 : vector<16xf32> to vector<16xf32>
      %max3A_737 = arith.maximumf %scan3A_724, %get3A_736 : vector<16xf32>
      %add3A_738 = arith.constant 16 : i32
      %add3A_739 = arith.addi %add3A_732, %add3A_738 : i32
      %get3A_740 = arith.index_cast %add3A_739 : i32 to index
      %get3A_741 = tpu.vector_load %arg4[%get3A_740] {strides = array<i32>} : memref<10000xf32, #tpu.memory_space<vmem>>, vector<16xf32>,
      %get3A_742 = vector.shape_cast %get3A_741 : vector<16xf32> to vector<16xf32>
      %max3A_743 = arith.maximumf %scan3A_725, %get3A_742 : vector<16xf32>
      %add3A_744 = arith.constant 32 : i32
      %add3A_745 = arith.addi %add3A_732, %add3A_744 : i32
      %get3A_746 = arith.index_cast %add3A_745 : i32 to index
      %get3A_747 = tpu.vector_load %arg4[%get3A_746] {strides = array<i32>} : memref<10000xf32, #tpu.memory_space<vmem>>, vector<16xf32>,
      %get3A_748 = vector.shape_cast %get3A_747 : vector<16xf32> to vector<16xf32>
      %max3A_749 = arith.maximumf %scan3A_726, %get3A_748 : vector<16xf32>
      %add3A_750 = arith.constant 48 : i32
      %add3A_751 = arith.addi %add3A_732, %add3A_750 : i32
      %get3A_752 = arith.index_cast %add3A_751 : i32 to index
      %get3A_753 = tpu.vector_load %arg4[%get3A_752] {strides = array<i32>} : memref<10000xf32, #tpu.memory_space<vmem>>, vector<16xf32>,
      %get3A_754 = vector.shape_cast %get3A_753 : vector<16xf32> to vector<16xf32>
      %max3A_755 = arith.maximumf %scan3A_727, %get3A_754 : vector<16xf32>
      %add3A_756 = arith.constant 64 : i32
      %add3A_757 = arith.addi %add3A_732, %add3A_756 : i32
      %get3A_758 = arith.index_cast %add3A_757 : i32 to index
      %get3A_759 = tpu.vector_load %arg4[%get3A_758] {strides = array<i32>} : memref<10000xf32, #tpu.memory_space<vmem>>, vector<16xf32>,
      %get3A_760 = vector.shape_cast %get3A_759 : vector<16xf32> to vector<16xf32>
      %max3A_761 = arith.maximumf %scan3A_728, %get3A_760 : vector<16xf32>
      scf.yield %max3A_737, %max3A_743, %max3A_749, %max3A_755, %max3A_761 : vector<16xf32>, vector<16xf32>, vector<16xf32>, vector<16xf32>, vector<16xf32>
    }
    %scan3A_227 = arith.constant 125 : i32
    %add3A_228 = arith.constant 80000 : i32
    %add3A_229 = arith.addi %mul3A_4, %add3A_228 : i32
    %dma_start3A_230 = tpu.memref_slice %arg2[%add3A_229] : memref<3200000xf32, #tpu.memory_space<hbm>> -> memref<10000xf32, #tpu.memory_space<hbm>>
    %dma_start3A_231 = tpu.memref_slice %arg2[%add3A_229] : memref<3200000xf32, #tpu.memory_space<hbm>> -> memref<10000xf32, #tpu.memory_space<hbm>>
    tpu.enqueue_dma source(%dma_start3A_231 : memref<10000xf32, #tpu.memory_space<hbm>>) target(%arg4 : memref<10000xf32, #tpu.memory_space<vmem>>) target_semaphore(%arg10 : memref<!tpu.dma_semaphore, #tpu.memory_space<semaphore_mem>>)
    %max3A_232 = arith.maximumf %scan3A_226#0, %scan3A_226#1 : vector<16xf32>
    %max3A_233 = arith.maximumf %max3A_232, %scan3A_226#2 : vector<16xf32>
    %max3A_234 = arith.maximumf %max3A_233, %scan3A_226#3 : vector<16xf32>
    %max3A_235 = arith.maximumf %max3A_234, %scan3A_226#4 : vector<16xf32>
    %xor3A_236 = arith.constant 8 : i32
    %xor3A_237 = vector.broadcast %xor3A_236 : i32 to vector<16xi32>
    %xor3A_238 = arith.xori %iota3A, %xor3A_237 : vector<16xi32>
    %broadcast_in_dim3A_239 = vector.shape_cast %xor3A_238 : vector<16xi32> to vector<16x1xi32>
    %gather3A_240 = vector.shape_cast %broadcast_in_dim3A_239 : vector<16x1xi32> to vector<16xi32>
    %gather3A_241 = tpu.dynamic_gather %max3A_235[%gather3A_240] in [0] : vector<16xf32>, vector<16xi32> -> vector<16xf32>
    %max3A_242 = arith.maximumf %max3A_235, %gather3A_241 : vector<16xf32>
    %xor3A_243 = arith.constant 4 : i32
    %xor3A_244 = vector.broadcast %xor3A_243 : i32 to vector<16xi32>
    %xor3A_245 = arith.xori %iota3A, %xor3A_244 : vector<16xi32>
    %broadcast_in_dim3A_246 = vector.shape_cast %xor3A_245 : vector<16xi32> to vector<16x1xi32>
    %gather3A_247 = vector.shape_cast %broadcast_in_dim3A_246 : vector<16x1xi32> to vector<16xi32>
    %gather3A_248 = tpu.dynamic_gather %max3A_242[%gather3A_247] in [0] : vector<16xf32>, vector<16xi32> -> vector<16xf32>
    %max3A_249 = arith.maximumf %max3A_242, %gather3A_248 : vector<16xf32>
    %xor3A_250 = arith.constant 2 : i32
    %xor3A_251 = vector.broadcast %xor3A_250 : i32 to vector<16xi32>
    %xor3A_252 = arith.xori %iota3A, %xor3A_251 : vector<16xi32>
    %broadcast_in_dim3A_253 = vector.shape_cast %xor3A_252 : vector<16xi32> to vector<16x1xi32>
    %gather3A_254 = vector.shape_cast %broadcast_in_dim3A_253 : vector<16x1xi32> to vector<16xi32>
    %gather3A_255 = tpu.dynamic_gather %max3A_249[%gather3A_254] in [0] : vector<16xf32>, vector<16xi32> -> vector<16xf32>
    %max3A_256 = arith.maximumf %max3A_249, %gather3A_255 : vector<16xf32>
    %xor3A_257 = arith.constant 1 : i32
    %xor3A_258 = vector.broadcast %xor3A_257 : i32 to vector<16xi32>
    %xor3A_259 = arith.xori %iota3A, %xor3A_258 : vector<16xi32>
    %broadcast_in_dim3A_260 = vector.shape_cast %xor3A_259 : vector<16xi32> to vector<16x1xi32>
    %gather3A_261 = vector.shape_cast %broadcast_in_dim3A_260 : vector<16x1xi32> to vector<16xi32>
    %gather3A_262 = tpu.dynamic_gather %max3A_256[%gather3A_261] in [0] : vector<16xf32>, vector<16xi32> -> vector<16xf32>
    %max3A_263 = arith.maximumf %max3A_256, %gather3A_262 : vector<16xf32>
    %eq3A_264 = arith.constant 4 : i32
    %eq3A_265 = vector.broadcast %eq3A_264 : i32 to vector<16xi32>
    %eq3A_266 = arith.cmpi eq, %iota3A, %eq3A_265 : vector<16xi32>
    %select_n3A_267 = arith.select %eq3A_266, %max3A_263, %select_n3A_217 : vector<16xi1>, vector<16xf32>
    %dma_wait3A_268 = arith.constant 0 : i32
    %dma_wait3A_269 = tpu.memref_slice %arg2[%dma_wait3A_268] : memref<3200000xf32, #tpu.memory_space<hbm>> -> memref<10000xf32, #tpu.memory_space<hbm>>
    %dma_wait3A_270 = arith.constant 0 : i32
    %dma_wait3A_271 = tpu.memref_slice %arg2[%dma_wait3A_270] : memref<3200000xf32, #tpu.memory_space<hbm>> -> memref<10000xf32, #tpu.memory_space<hbm>>
    tpu.wait_dma2 semaphore(%arg11 : memref<!tpu.dma_semaphore, #tpu.memory_space<semaphore_mem>>) src(%dma_wait3A_271 : memref<10000xf32, #tpu.memory_space<hbm>>) dst(%arg5 : memref<10000xf32, #tpu.memory_space<vmem>>)
    %scan3A_272 = arith.constant 0 : i32
    %scan3A_273 = arith.constant 125 : i32
    %scan3A_274 = arith.addi %scan3A_272, %scan3A_273 : i32
    %scan3A_275 = arith.constant 1 : i32
    %scan3A_276:5 = scf.for %scan3A_723 = %scan3A_272 to %scan3A_274 step %scan3A_275 iter_args(%scan3A_724 = %broadcast_in_dim3A_22, %scan3A_725 = %broadcast_in_dim3A_22, %scan3A_726 = %broadcast_in_dim3A_22, %scan3A_727 = %broadcast_in_dim3A_22, %scan3A_728 = %broadcast_in_dim3A_22) -> (vector<16xf32>, vector<16xf32>, vector<16xf32>, vector<16xf32>, vector<16xf32>)  : i32 {
      %mul3A_729 = arith.constant 80 : i32
      %mul3A_730 = arith.muli %scan3A_723, %mul3A_729 : i32
      %add3A_731 = arith.constant 0 : i32
      %add3A_732 = arith.addi %add3A_731, %mul3A_730 : i32
      %add3A_733 = arith.constant 0 : i32
      %add3A_734 = arith.addi %add3A_732, %add3A_733 : i32
      %get3A = arith.index_cast %add3A_734 : i32 to index
      %get3A_735 = tpu.vector_load %arg5[%get3A] {strides = array<i32>} : memref<10000xf32, #tpu.memory_space<vmem>>, vector<16xf32>,
      %get3A_736 = vector.shape_cast %get3A_735 : vector<16xf32> to vector<16xf32>
      %max3A_737 = arith.maximumf %scan3A_724, %get3A_736 : vector<16xf32>
      %add3A_738 = arith.constant 16 : i32
      %add3A_739 = arith.addi %add3A_732, %add3A_738 : i32
      %get3A_740 = arith.index_cast %add3A_739 : i32 to index
      %get3A_741 = tpu.vector_load %arg5[%get3A_740] {strides = array<i32>} : memref<10000xf32, #tpu.memory_space<vmem>>, vector<16xf32>,
      %get3A_742 = vector.shape_cast %get3A_741 : vector<16xf32> to vector<16xf32>
      %max3A_743 = arith.maximumf %scan3A_725, %get3A_742 : vector<16xf32>
      %add3A_744 = arith.constant 32 : i32
      %add3A_745 = arith.addi %add3A_732, %add3A_744 : i32
      %get3A_746 = arith.index_cast %add3A_745 : i32 to index
      %get3A_747 = tpu.vector_load %arg5[%get3A_746] {strides = array<i32>} : memref<10000xf32, #tpu.memory_space<vmem>>, vector<16xf32>,
      %get3A_748 = vector.shape_cast %get3A_747 : vector<16xf32> to vector<16xf32>
      %max3A_749 = arith.maximumf %scan3A_726, %get3A_748 : vector<16xf32>
      %add3A_750 = arith.constant 48 : i32
      %add3A_751 = arith.addi %add3A_732, %add3A_750 : i32
      %get3A_752 = arith.index_cast %add3A_751 : i32 to index
      %get3A_753 = tpu.vector_load %arg5[%get3A_752] {strides = array<i32>} : memref<10000xf32, #tpu.memory_space<vmem>>, vector<16xf32>,
      %get3A_754 = vector.shape_cast %get3A_753 : vector<16xf32> to vector<16xf32>
      %max3A_755 = arith.maximumf %scan3A_727, %get3A_754 : vector<16xf32>
      %add3A_756 = arith.constant 64 : i32
      %add3A_757 = arith.addi %add3A_732, %add3A_756 : i32
      %get3A_758 = arith.index_cast %add3A_757 : i32 to index
      %get3A_759 = tpu.vector_load %arg5[%get3A_758] {strides = array<i32>} : memref<10000xf32, #tpu.memory_space<vmem>>, vector<16xf32>,
      %get3A_760 = vector.shape_cast %get3A_759 : vector<16xf32> to vector<16xf32>
      %max3A_761 = arith.maximumf %scan3A_728, %get3A_760 : vector<16xf32>
      scf.yield %max3A_737, %max3A_743, %max3A_749, %max3A_755, %max3A_761 : vector<16xf32>, vector<16xf32>, vector<16xf32>, vector<16xf32>, vector<16xf32>
    }
    %scan3A_277 = arith.constant 125 : i32
    %add3A_278 = arith.constant 90000 : i32
    %add3A_279 = arith.addi %mul3A_4, %add3A_278 : i32
    %dma_start3A_280 = tpu.memref_slice %arg2[%add3A_279] : memref<3200000xf32, #tpu.memory_space<hbm>> -> memref<10000xf32, #tpu.memory_space<hbm>>
    %dma_start3A_281 = tpu.memref_slice %arg2[%add3A_279] : memref<3200000xf32, #tpu.memory_space<hbm>> -> memref<10000xf32, #tpu.memory_space<hbm>>
    tpu.enqueue_dma source(%dma_start3A_281 : memref<10000xf32, #tpu.memory_space<hbm>>) target(%arg5 : memref<10000xf32, #tpu.memory_space<vmem>>) target_semaphore(%arg11 : memref<!tpu.dma_semaphore, #tpu.memory_space<semaphore_mem>>)
    %max3A_282 = arith.maximumf %scan3A_276#0, %scan3A_276#1 : vector<16xf32>
    %max3A_283 = arith.maximumf %max3A_282, %scan3A_276#2 : vector<16xf32>
    %max3A_284 = arith.maximumf %max3A_283, %scan3A_276#3 : vector<16xf32>
    %max3A_285 = arith.maximumf %max3A_284, %scan3A_276#4 : vector<16xf32>
    %xor3A_286 = arith.constant 8 : i32
    %xor3A_287 = vector.broadcast %xor3A_286 : i32 to vector<16xi32>
    %xor3A_288 = arith.xori %iota3A, %xor3A_287 : vector<16xi32>
    %broadcast_in_dim3A_289 = vector.shape_cast %xor3A_288 : vector<16xi32> to vector<16x1xi32>
    %gather3A_290 = vector.shape_cast %broadcast_in_dim3A_289 : vector<16x1xi32> to vector<16xi32>
    %gather3A_291 = tpu.dynamic_gather %max3A_285[%gather3A_290] in [0] : vector<16xf32>, vector<16xi32> -> vector<16xf32>
    %max3A_292 = arith.maximumf %max3A_285, %gather3A_291 : vector<16xf32>
    %xor3A_293 = arith.constant 4 : i32
    %xor3A_294 = vector.broadcast %xor3A_293 : i32 to vector<16xi32>
    %xor3A_295 = arith.xori %iota3A, %xor3A_294 : vector<16xi32>
    %broadcast_in_dim3A_296 = vector.shape_cast %xor3A_295 : vector<16xi32> to vector<16x1xi32>
    %gather3A_297 = vector.shape_cast %broadcast_in_dim3A_296 : vector<16x1xi32> to vector<16xi32>
    %gather3A_298 = tpu.dynamic_gather %max3A_292[%gather3A_297] in [0] : vector<16xf32>, vector<16xi32> -> vector<16xf32>
    %max3A_299 = arith.maximumf %max3A_292, %gather3A_298 : vector<16xf32>
    %xor3A_300 = arith.constant 2 : i32
    %xor3A_301 = vector.broadcast %xor3A_300 : i32 to vector<16xi32>
    %xor3A_302 = arith.xori %iota3A, %xor3A_301 : vector<16xi32>
    %broadcast_in_dim3A_303 = vector.shape_cast %xor3A_302 : vector<16xi32> to vector<16x1xi32>
    %gather3A_304 = vector.shape_cast %broadcast_in_dim3A_303 : vector<16x1xi32> to vector<16xi32>
    %gather3A_305 = tpu.dynamic_gather %max3A_299[%gather3A_304] in [0] : vector<16xf32>, vector<16xi32> -> vector<16xf32>
    %max3A_306 = arith.maximumf %max3A_299, %gather3A_305 : vector<16xf32>
    %xor3A_307 = arith.constant 1 : i32
    %xor3A_308 = vector.broadcast %xor3A_307 : i32 to vector<16xi32>
    %xor3A_309 = arith.xori %iota3A, %xor3A_308 : vector<16xi32>
    %broadcast_in_dim3A_310 = vector.shape_cast %xor3A_309 : vector<16xi32> to vector<16x1xi32>
    %gather3A_311 = vector.shape_cast %broadcast_in_dim3A_310 : vector<16x1xi32> to vector<16xi32>
    %gather3A_312 = tpu.dynamic_gather %max3A_306[%gather3A_311] in [0] : vector<16xf32>, vector<16xi32> -> vector<16xf32>
    %max3A_313 = arith.maximumf %max3A_306, %gather3A_312 : vector<16xf32>
    %eq3A_314 = arith.constant 5 : i32
    %eq3A_315 = vector.broadcast %eq3A_314 : i32 to vector<16xi32>
    %eq3A_316 = arith.cmpi eq, %iota3A, %eq3A_315 : vector<16xi32>
    %select_n3A_317 = arith.select %eq3A_316, %max3A_313, %select_n3A_267 : vector<16xi1>, vector<16xf32>
    %dma_wait3A_318 = arith.constant 0 : i32
    %dma_wait3A_319 = tpu.memref_slice %arg2[%dma_wait3A_318] : memref<3200000xf32, #tpu.memory_space<hbm>> -> memref<10000xf32, #tpu.memory_space<hbm>>
    %dma_wait3A_320 = arith.constant 0 : i32
    %dma_wait3A_321 = tpu.memref_slice %arg2[%dma_wait3A_320] : memref<3200000xf32, #tpu.memory_space<hbm>> -> memref<10000xf32, #tpu.memory_space<hbm>>
    tpu.wait_dma2 semaphore(%arg12 : memref<!tpu.dma_semaphore, #tpu.memory_space<semaphore_mem>>) src(%dma_wait3A_321 : memref<10000xf32, #tpu.memory_space<hbm>>) dst(%arg6 : memref<10000xf32, #tpu.memory_space<vmem>>)
    %scan3A_322 = arith.constant 0 : i32
    %scan3A_323 = arith.constant 125 : i32
    %scan3A_324 = arith.addi %scan3A_322, %scan3A_323 : i32
    %scan3A_325 = arith.constant 1 : i32
    %scan3A_326:5 = scf.for %scan3A_723 = %scan3A_322 to %scan3A_324 step %scan3A_325 iter_args(%scan3A_724 = %broadcast_in_dim3A_22, %scan3A_725 = %broadcast_in_dim3A_22, %scan3A_726 = %broadcast_in_dim3A_22, %scan3A_727 = %broadcast_in_dim3A_22, %scan3A_728 = %broadcast_in_dim3A_22) -> (vector<16xf32>, vector<16xf32>, vector<16xf32>, vector<16xf32>, vector<16xf32>)  : i32 {
      %mul3A_729 = arith.constant 80 : i32
      %mul3A_730 = arith.muli %scan3A_723, %mul3A_729 : i32
      %add3A_731 = arith.constant 0 : i32
      %add3A_732 = arith.addi %add3A_731, %mul3A_730 : i32
      %add3A_733 = arith.constant 0 : i32
      %add3A_734 = arith.addi %add3A_732, %add3A_733 : i32
      %get3A = arith.index_cast %add3A_734 : i32 to index
      %get3A_735 = tpu.vector_load %arg6[%get3A] {strides = array<i32>} : memref<10000xf32, #tpu.memory_space<vmem>>, vector<16xf32>,
      %get3A_736 = vector.shape_cast %get3A_735 : vector<16xf32> to vector<16xf32>
      %max3A_737 = arith.maximumf %scan3A_724, %get3A_736 : vector<16xf32>
      %add3A_738 = arith.constant 16 : i32
      %add3A_739 = arith.addi %add3A_732, %add3A_738 : i32
      %get3A_740 = arith.index_cast %add3A_739 : i32 to index
      %get3A_741 = tpu.vector_load %arg6[%get3A_740] {strides = array<i32>} : memref<10000xf32, #tpu.memory_space<vmem>>, vector<16xf32>,
      %get3A_742 = vector.shape_cast %get3A_741 : vector<16xf32> to vector<16xf32>
      %max3A_743 = arith.maximumf %scan3A_725, %get3A_742 : vector<16xf32>
      %add3A_744 = arith.constant 32 : i32
      %add3A_745 = arith.addi %add3A_732, %add3A_744 : i32
      %get3A_746 = arith.index_cast %add3A_745 : i32 to index
      %get3A_747 = tpu.vector_load %arg6[%get3A_746] {strides = array<i32>} : memref<10000xf32, #tpu.memory_space<vmem>>, vector<16xf32>,
      %get3A_748 = vector.shape_cast %get3A_747 : vector<16xf32> to vector<16xf32>
      %max3A_749 = arith.maximumf %scan3A_726, %get3A_748 : vector<16xf32>
      %add3A_750 = arith.constant 48 : i32
      %add3A_751 = arith.addi %add3A_732, %add3A_750 : i32
      %get3A_752 = arith.index_cast %add3A_751 : i32 to index
      %get3A_753 = tpu.vector_load %arg6[%get3A_752] {strides = array<i32>} : memref<10000xf32, #tpu.memory_space<vmem>>, vector<16xf32>,
      %get3A_754 = vector.shape_cast %get3A_753 : vector<16xf32> to vector<16xf32>
      %max3A_755 = arith.maximumf %scan3A_727, %get3A_754 : vector<16xf32>
      %add3A_756 = arith.constant 64 : i32
      %add3A_757 = arith.addi %add3A_732, %add3A_756 : i32
      %get3A_758 = arith.index_cast %add3A_757 : i32 to index
      %get3A_759 = tpu.vector_load %arg6[%get3A_758] {strides = array<i32>} : memref<10000xf32, #tpu.memory_space<vmem>>, vector<16xf32>,
      %get3A_760 = vector.shape_cast %get3A_759 : vector<16xf32> to vector<16xf32>
      %max3A_761 = arith.maximumf %scan3A_728, %get3A_760 : vector<16xf32>
      scf.yield %max3A_737, %max3A_743, %max3A_749, %max3A_755, %max3A_761 : vector<16xf32>, vector<16xf32>, vector<16xf32>, vector<16xf32>, vector<16xf32>
    }
    %scan3A_327 = arith.constant 125 : i32
    %max3A_328 = arith.maximumf %scan3A_326#0, %scan3A_326#1 : vector<16xf32>
    %max3A_329 = arith.maximumf %max3A_328, %scan3A_326#2 : vector<16xf32>
    %max3A_330 = arith.maximumf %max3A_329, %scan3A_326#3 : vector<16xf32>
    %max3A_331 = arith.maximumf %max3A_330, %scan3A_326#4 : vector<16xf32>
    %xor3A_332 = arith.constant 8 : i32
    %xor3A_333 = vector.broadcast %xor3A_332 : i32 to vector<16xi32>
    %xor3A_334 = arith.xori %iota3A, %xor3A_333 : vector<16xi32>
    %broadcast_in_dim3A_335 = vector.shape_cast %xor3A_334 : vector<16xi32> to vector<16x1xi32>
    %gather3A_336 = vector.shape_cast %broadcast_in_dim3A_335 : vector<16x1xi32> to vector<16xi32>
    %gather3A_337 = tpu.dynamic_gather %max3A_331[%gather3A_336] in [0] : vector<16xf32>, vector<16xi32> -> vector<16xf32>
    %max3A_338 = arith.maximumf %max3A_331, %gather3A_337 : vector<16xf32>
    %xor3A_339 = arith.constant 4 : i32
    %xor3A_340 = vector.broadcast %xor3A_339 : i32 to vector<16xi32>
    %xor3A_341 = arith.xori %iota3A, %xor3A_340 : vector<16xi32>
    %broadcast_in_dim3A_342 = vector.shape_cast %xor3A_341 : vector<16xi32> to vector<16x1xi32>
    %gather3A_343 = vector.shape_cast %broadcast_in_dim3A_342 : vector<16x1xi32> to vector<16xi32>
    %gather3A_344 = tpu.dynamic_gather %max3A_338[%gather3A_343] in [0] : vector<16xf32>, vector<16xi32> -> vector<16xf32>
    %max3A_345 = arith.maximumf %max3A_338, %gather3A_344 : vector<16xf32>
    %xor3A_346 = arith.constant 2 : i32
    %xor3A_347 = vector.broadcast %xor3A_346 : i32 to vector<16xi32>
    %xor3A_348 = arith.xori %iota3A, %xor3A_347 : vector<16xi32>
    %broadcast_in_dim3A_349 = vector.shape_cast %xor3A_348 : vector<16xi32> to vector<16x1xi32>
    %gather3A_350 = vector.shape_cast %broadcast_in_dim3A_349 : vector<16x1xi32> to vector<16xi32>
    %gather3A_351 = tpu.dynamic_gather %max3A_345[%gather3A_350] in [0] : vector<16xf32>, vector<16xi32> -> vector<16xf32>
    %max3A_352 = arith.maximumf %max3A_345, %gather3A_351 : vector<16xf32>
    %xor3A_353 = arith.constant 1 : i32
    %xor3A_354 = vector.broadcast %xor3A_353 : i32 to vector<16xi32>
    %xor3A_355 = arith.xori %iota3A, %xor3A_354 : vector<16xi32>
    %broadcast_in_dim3A_356 = vector.shape_cast %xor3A_355 : vector<16xi32> to vector<16x1xi32>
    %gather3A_357 = vector.shape_cast %broadcast_in_dim3A_356 : vector<16x1xi32> to vector<16xi32>
    %gather3A_358 = tpu.dynamic_gather %max3A_352[%gather3A_357] in [0] : vector<16xf32>, vector<16xi32> -> vector<16xf32>
    %max3A_359 = arith.maximumf %max3A_352, %gather3A_358 : vector<16xf32>
    %eq3A_360 = arith.constant 6 : i32
    %eq3A_361 = vector.broadcast %eq3A_360 : i32 to vector<16xi32>
    %eq3A_362 = arith.cmpi eq, %iota3A, %eq3A_361 : vector<16xi32>
    %select_n3A_363 = arith.select %eq3A_362, %max3A_359, %select_n3A_317 : vector<16xi1>, vector<16xf32>
    %dma_wait3A_364 = arith.constant 0 : i32
    %dma_wait3A_365 = tpu.memref_slice %arg2[%dma_wait3A_364] : memref<3200000xf32, #tpu.memory_space<hbm>> -> memref<10000xf32, #tpu.memory_space<hbm>>
    %dma_wait3A_366 = arith.constant 0 : i32
    %dma_wait3A_367 = tpu.memref_slice %arg2[%dma_wait3A_366] : memref<3200000xf32, #tpu.memory_space<hbm>> -> memref<10000xf32, #tpu.memory_space<hbm>>
    tpu.wait_dma2 semaphore(%arg13 : memref<!tpu.dma_semaphore, #tpu.memory_space<semaphore_mem>>) src(%dma_wait3A_367 : memref<10000xf32, #tpu.memory_space<hbm>>) dst(%arg7 : memref<10000xf32, #tpu.memory_space<vmem>>)
    %scan3A_368 = arith.constant 0 : i32
    %scan3A_369 = arith.constant 125 : i32
    %scan3A_370 = arith.addi %scan3A_368, %scan3A_369 : i32
    %scan3A_371 = arith.constant 1 : i32
    %scan3A_372:5 = scf.for %scan3A_723 = %scan3A_368 to %scan3A_370 step %scan3A_371 iter_args(%scan3A_724 = %broadcast_in_dim3A_22, %scan3A_725 = %broadcast_in_dim3A_22, %scan3A_726 = %broadcast_in_dim3A_22, %scan3A_727 = %broadcast_in_dim3A_22, %scan3A_728 = %broadcast_in_dim3A_22) -> (vector<16xf32>, vector<16xf32>, vector<16xf32>, vector<16xf32>, vector<16xf32>)  : i32 {
      %mul3A_729 = arith.constant 80 : i32
      %mul3A_730 = arith.muli %scan3A_723, %mul3A_729 : i32
      %add3A_731 = arith.constant 0 : i32
      %add3A_732 = arith.addi %add3A_731, %mul3A_730 : i32
      %add3A_733 = arith.constant 0 : i32
      %add3A_734 = arith.addi %add3A_732, %add3A_733 : i32
      %get3A = arith.index_cast %add3A_734 : i32 to index
      %get3A_735 = tpu.vector_load %arg7[%get3A] {strides = array<i32>} : memref<10000xf32, #tpu.memory_space<vmem>>, vector<16xf32>,
      %get3A_736 = vector.shape_cast %get3A_735 : vector<16xf32> to vector<16xf32>
      %max3A_737 = arith.maximumf %scan3A_724, %get3A_736 : vector<16xf32>
      %add3A_738 = arith.constant 16 : i32
      %add3A_739 = arith.addi %add3A_732, %add3A_738 : i32
      %get3A_740 = arith.index_cast %add3A_739 : i32 to index
      %get3A_741 = tpu.vector_load %arg7[%get3A_740] {strides = array<i32>} : memref<10000xf32, #tpu.memory_space<vmem>>, vector<16xf32>,
      %get3A_742 = vector.shape_cast %get3A_741 : vector<16xf32> to vector<16xf32>
      %max3A_743 = arith.maximumf %scan3A_725, %get3A_742 : vector<16xf32>
      %add3A_744 = arith.constant 32 : i32
      %add3A_745 = arith.addi %add3A_732, %add3A_744 : i32
      %get3A_746 = arith.index_cast %add3A_745 : i32 to index
      %get3A_747 = tpu.vector_load %arg7[%get3A_746] {strides = array<i32>} : memref<10000xf32, #tpu.memory_space<vmem>>, vector<16xf32>,
      %get3A_748 = vector.shape_cast %get3A_747 : vector<16xf32> to vector<16xf32>
      %max3A_749 = arith.maximumf %scan3A_726, %get3A_748 : vector<16xf32>
      %add3A_750 = arith.constant 48 : i32
      %add3A_751 = arith.addi %add3A_732, %add3A_750 : i32
      %get3A_752 = arith.index_cast %add3A_751 : i32 to index
      %get3A_753 = tpu.vector_load %arg7[%get3A_752] {strides = array<i32>} : memref<10000xf32, #tpu.memory_space<vmem>>, vector<16xf32>,
      %get3A_754 = vector.shape_cast %get3A_753 : vector<16xf32> to vector<16xf32>
      %max3A_755 = arith.maximumf %scan3A_727, %get3A_754 : vector<16xf32>
      %add3A_756 = arith.constant 64 : i32
      %add3A_757 = arith.addi %add3A_732, %add3A_756 : i32
      %get3A_758 = arith.index_cast %add3A_757 : i32 to index
      %get3A_759 = tpu.vector_load %arg7[%get3A_758] {strides = array<i32>} : memref<10000xf32, #tpu.memory_space<vmem>>, vector<16xf32>,
      %get3A_760 = vector.shape_cast %get3A_759 : vector<16xf32> to vector<16xf32>
      %max3A_761 = arith.maximumf %scan3A_728, %get3A_760 : vector<16xf32>
      scf.yield %max3A_737, %max3A_743, %max3A_749, %max3A_755, %max3A_761 : vector<16xf32>, vector<16xf32>, vector<16xf32>, vector<16xf32>, vector<16xf32>
    }
    %scan3A_373 = arith.constant 125 : i32
    %max3A_374 = arith.maximumf %scan3A_372#0, %scan3A_372#1 : vector<16xf32>
    %max3A_375 = arith.maximumf %max3A_374, %scan3A_372#2 : vector<16xf32>
    %max3A_376 = arith.maximumf %max3A_375, %scan3A_372#3 : vector<16xf32>
    %max3A_377 = arith.maximumf %max3A_376, %scan3A_372#4 : vector<16xf32>
    %xor3A_378 = arith.constant 8 : i32
    %xor3A_379 = vector.broadcast %xor3A_378 : i32 to vector<16xi32>
    %xor3A_380 = arith.xori %iota3A, %xor3A_379 : vector<16xi32>
    %broadcast_in_dim3A_381 = vector.shape_cast %xor3A_380 : vector<16xi32> to vector<16x1xi32>
    %gather3A_382 = vector.shape_cast %broadcast_in_dim3A_381 : vector<16x1xi32> to vector<16xi32>
    %gather3A_383 = tpu.dynamic_gather %max3A_377[%gather3A_382] in [0] : vector<16xf32>, vector<16xi32> -> vector<16xf32>
    %max3A_384 = arith.maximumf %max3A_377, %gather3A_383 : vector<16xf32>
    %xor3A_385 = arith.constant 4 : i32
    %xor3A_386 = vector.broadcast %xor3A_385 : i32 to vector<16xi32>
    %xor3A_387 = arith.xori %iota3A, %xor3A_386 : vector<16xi32>
    %broadcast_in_dim3A_388 = vector.shape_cast %xor3A_387 : vector<16xi32> to vector<16x1xi32>
    %gather3A_389 = vector.shape_cast %broadcast_in_dim3A_388 : vector<16x1xi32> to vector<16xi32>
    %gather3A_390 = tpu.dynamic_gather %max3A_384[%gather3A_389] in [0] : vector<16xf32>, vector<16xi32> -> vector<16xf32>
    %max3A_391 = arith.maximumf %max3A_384, %gather3A_390 : vector<16xf32>
    %xor3A_392 = arith.constant 2 : i32
    %xor3A_393 = vector.broadcast %xor3A_392 : i32 to vector<16xi32>
    %xor3A_394 = arith.xori %iota3A, %xor3A_393 : vector<16xi32>
    %broadcast_in_dim3A_395 = vector.shape_cast %xor3A_394 : vector<16xi32> to vector<16x1xi32>
    %gather3A_396 = vector.shape_cast %broadcast_in_dim3A_395 : vector<16x1xi32> to vector<16xi32>
    %gather3A_397 = tpu.dynamic_gather %max3A_391[%gather3A_396] in [0] : vector<16xf32>, vector<16xi32> -> vector<16xf32>
    %max3A_398 = arith.maximumf %max3A_391, %gather3A_397 : vector<16xf32>
    %xor3A_399 = arith.constant 1 : i32
    %xor3A_400 = vector.broadcast %xor3A_399 : i32 to vector<16xi32>
    %xor3A_401 = arith.xori %iota3A, %xor3A_400 : vector<16xi32>
    %broadcast_in_dim3A_402 = vector.shape_cast %xor3A_401 : vector<16xi32> to vector<16x1xi32>
    %gather3A_403 = vector.shape_cast %broadcast_in_dim3A_402 : vector<16x1xi32> to vector<16xi32>
    %gather3A_404 = tpu.dynamic_gather %max3A_398[%gather3A_403] in [0] : vector<16xf32>, vector<16xi32> -> vector<16xf32>
    %max3A_405 = arith.maximumf %max3A_398, %gather3A_404 : vector<16xf32>
    %eq3A_406 = arith.constant 7 : i32
    %eq3A_407 = vector.broadcast %eq3A_406 : i32 to vector<16xi32>
    %eq3A_408 = arith.cmpi eq, %iota3A, %eq3A_407 : vector<16xi32>
    %select_n3A_409 = arith.select %eq3A_408, %max3A_405, %select_n3A_363 : vector<16xi1>, vector<16xf32>
    %dma_wait3A_410 = arith.constant 0 : i32
    %dma_wait3A_411 = tpu.memref_slice %arg2[%dma_wait3A_410] : memref<3200000xf32, #tpu.memory_space<hbm>> -> memref<10000xf32, #tpu.memory_space<hbm>>
    %dma_wait3A_412 = arith.constant 0 : i32
    %dma_wait3A_413 = tpu.memref_slice %arg2[%dma_wait3A_412] : memref<3200000xf32, #tpu.memory_space<hbm>> -> memref<10000xf32, #tpu.memory_space<hbm>>
    tpu.wait_dma2 semaphore(%arg10 : memref<!tpu.dma_semaphore, #tpu.memory_space<semaphore_mem>>) src(%dma_wait3A_413 : memref<10000xf32, #tpu.memory_space<hbm>>) dst(%arg4 : memref<10000xf32, #tpu.memory_space<vmem>>)
    %scan3A_414 = arith.constant 0 : i32
    %scan3A_415 = arith.constant 125 : i32
    %scan3A_416 = arith.addi %scan3A_414, %scan3A_415 : i32
    %scan3A_417 = arith.constant 1 : i32
    %scan3A_418:5 = scf.for %scan3A_723 = %scan3A_414 to %scan3A_416 step %scan3A_417 iter_args(%scan3A_724 = %broadcast_in_dim3A_22, %scan3A_725 = %broadcast_in_dim3A_22, %scan3A_726 = %broadcast_in_dim3A_22, %scan3A_727 = %broadcast_in_dim3A_22, %scan3A_728 = %broadcast_in_dim3A_22) -> (vector<16xf32>, vector<16xf32>, vector<16xf32>, vector<16xf32>, vector<16xf32>)  : i32 {
      %mul3A_729 = arith.constant 80 : i32
      %mul3A_730 = arith.muli %scan3A_723, %mul3A_729 : i32
      %add3A_731 = arith.constant 0 : i32
      %add3A_732 = arith.addi %add3A_731, %mul3A_730 : i32
      %add3A_733 = arith.constant 0 : i32
      %add3A_734 = arith.addi %add3A_732, %add3A_733 : i32
      %get3A = arith.index_cast %add3A_734 : i32 to index
      %get3A_735 = tpu.vector_load %arg4[%get3A] {strides = array<i32>} : memref<10000xf32, #tpu.memory_space<vmem>>, vector<16xf32>,
      %get3A_736 = vector.shape_cast %get3A_735 : vector<16xf32> to vector<16xf32>
      %max3A_737 = arith.maximumf %scan3A_724, %get3A_736 : vector<16xf32>
      %add3A_738 = arith.constant 16 : i32
      %add3A_739 = arith.addi %add3A_732, %add3A_738 : i32
      %get3A_740 = arith.index_cast %add3A_739 : i32 to index
      %get3A_741 = tpu.vector_load %arg4[%get3A_740] {strides = array<i32>} : memref<10000xf32, #tpu.memory_space<vmem>>, vector<16xf32>,
      %get3A_742 = vector.shape_cast %get3A_741 : vector<16xf32> to vector<16xf32>
      %max3A_743 = arith.maximumf %scan3A_725, %get3A_742 : vector<16xf32>
      %add3A_744 = arith.constant 32 : i32
      %add3A_745 = arith.addi %add3A_732, %add3A_744 : i32
      %get3A_746 = arith.index_cast %add3A_745 : i32 to index
      %get3A_747 = tpu.vector_load %arg4[%get3A_746] {strides = array<i32>} : memref<10000xf32, #tpu.memory_space<vmem>>, vector<16xf32>,
      %get3A_748 = vector.shape_cast %get3A_747 : vector<16xf32> to vector<16xf32>
      %max3A_749 = arith.maximumf %scan3A_726, %get3A_748 : vector<16xf32>
      %add3A_750 = arith.constant 48 : i32
      %add3A_751 = arith.addi %add3A_732, %add3A_750 : i32
      %get3A_752 = arith.index_cast %add3A_751 : i32 to index
      %get3A_753 = tpu.vector_load %arg4[%get3A_752] {strides = array<i32>} : memref<10000xf32, #tpu.memory_space<vmem>>, vector<16xf32>,
      %get3A_754 = vector.shape_cast %get3A_753 : vector<16xf32> to vector<16xf32>
      %max3A_755 = arith.maximumf %scan3A_727, %get3A_754 : vector<16xf32>
      %add3A_756 = arith.constant 64 : i32
      %add3A_757 = arith.addi %add3A_732, %add3A_756 : i32
      %get3A_758 = arith.index_cast %add3A_757 : i32 to index
      %get3A_759 = tpu.vector_load %arg4[%get3A_758] {strides = array<i32>} : memref<10000xf32, #tpu.memory_space<vmem>>, vector<16xf32>,
      %get3A_760 = vector.shape_cast %get3A_759 : vector<16xf32> to vector<16xf32>
      %max3A_761 = arith.maximumf %scan3A_728, %get3A_760 : vector<16xf32>
      scf.yield %max3A_737, %max3A_743, %max3A_749, %max3A_755, %max3A_761 : vector<16xf32>, vector<16xf32>, vector<16xf32>, vector<16xf32>, vector<16xf32>
    }
    %scan3A_419 = arith.constant 125 : i32
    %max3A_420 = arith.maximumf %scan3A_418#0, %scan3A_418#1 : vector<16xf32>
    %max3A_421 = arith.maximumf %max3A_420, %scan3A_418#2 : vector<16xf32>
    %max3A_422 = arith.maximumf %max3A_421, %scan3A_418#3 : vector<16xf32>
    %max3A_423 = arith.maximumf %max3A_422, %scan3A_418#4 : vector<16xf32>
    %xor3A_424 = arith.constant 8 : i32
    %xor3A_425 = vector.broadcast %xor3A_424 : i32 to vector<16xi32>
    %xor3A_426 = arith.xori %iota3A, %xor3A_425 : vector<16xi32>
    %broadcast_in_dim3A_427 = vector.shape_cast %xor3A_426 : vector<16xi32> to vector<16x1xi32>
    %gather3A_428 = vector.shape_cast %broadcast_in_dim3A_427 : vector<16x1xi32> to vector<16xi32>
    %gather3A_429 = tpu.dynamic_gather %max3A_423[%gather3A_428] in [0] : vector<16xf32>, vector<16xi32> -> vector<16xf32>
    %max3A_430 = arith.maximumf %max3A_423, %gather3A_429 : vector<16xf32>
    %xor3A_431 = arith.constant 4 : i32
    %xor3A_432 = vector.broadcast %xor3A_431 : i32 to vector<16xi32>
    %xor3A_433 = arith.xori %iota3A, %xor3A_432 : vector<16xi32>
    %broadcast_in_dim3A_434 = vector.shape_cast %xor3A_433 : vector<16xi32> to vector<16x1xi32>
    %gather3A_435 = vector.shape_cast %broadcast_in_dim3A_434 : vector<16x1xi32> to vector<16xi32>
    %gather3A_436 = tpu.dynamic_gather %max3A_430[%gather3A_435] in [0] : vector<16xf32>, vector<16xi32> -> vector<16xf32>
    %max3A_437 = arith.maximumf %max3A_430, %gather3A_436 : vector<16xf32>
    %xor3A_438 = arith.constant 2 : i32
    %xor3A_439 = vector.broadcast %xor3A_438 : i32 to vector<16xi32>
    %xor3A_440 = arith.xori %iota3A, %xor3A_439 : vector<16xi32>
    %broadcast_in_dim3A_441 = vector.shape_cast %xor3A_440 : vector<16xi32> to vector<16x1xi32>
    %gather3A_442 = vector.shape_cast %broadcast_in_dim3A_441 : vector<16x1xi32> to vector<16xi32>
    %gather3A_443 = tpu.dynamic_gather %max3A_437[%gather3A_442] in [0] : vector<16xf32>, vector<16xi32> -> vector<16xf32>
    %max3A_444 = arith.maximumf %max3A_437, %gather3A_443 : vector<16xf32>
    %xor3A_445 = arith.constant 1 : i32
    %xor3A_446 = vector.broadcast %xor3A_445 : i32 to vector<16xi32>
    %xor3A_447 = arith.xori %iota3A, %xor3A_446 : vector<16xi32>
    %broadcast_in_dim3A_448 = vector.shape_cast %xor3A_447 : vector<16xi32> to vector<16x1xi32>
    %gather3A_449 = vector.shape_cast %broadcast_in_dim3A_448 : vector<16x1xi32> to vector<16xi32>
    %gather3A_450 = tpu.dynamic_gather %max3A_444[%gather3A_449] in [0] : vector<16xf32>, vector<16xi32> -> vector<16xf32>
    %max3A_451 = arith.maximumf %max3A_444, %gather3A_450 : vector<16xf32>
    %eq3A_452 = arith.constant 8 : i32
    %eq3A_453 = vector.broadcast %eq3A_452 : i32 to vector<16xi32>
    %eq3A_454 = arith.cmpi eq, %iota3A, %eq3A_453 : vector<16xi32>
    %select_n3A_455 = arith.select %eq3A_454, %max3A_451, %select_n3A_409 : vector<16xi1>, vector<16xf32>
    %dma_wait3A_456 = arith.constant 0 : i32
    %dma_wait3A_457 = tpu.memref_slice %arg2[%dma_wait3A_456] : memref<3200000xf32, #tpu.memory_space<hbm>> -> memref<10000xf32, #tpu.memory_space<hbm>>
    %dma_wait3A_458 = arith.constant 0 : i32
    %dma_wait3A_459 = tpu.memref_slice %arg2[%dma_wait3A_458] : memref<3200000xf32, #tpu.memory_space<hbm>> -> memref<10000xf32, #tpu.memory_space<hbm>>
    tpu.wait_dma2 semaphore(%arg11 : memref<!tpu.dma_semaphore, #tpu.memory_space<semaphore_mem>>) src(%dma_wait3A_459 : memref<10000xf32, #tpu.memory_space<hbm>>) dst(%arg5 : memref<10000xf32, #tpu.memory_space<vmem>>)
    %scan3A_460 = arith.constant 0 : i32
    %scan3A_461 = arith.constant 125 : i32
    %scan3A_462 = arith.addi %scan3A_460, %scan3A_461 : i32
    %scan3A_463 = arith.constant 1 : i32
    %scan3A_464:5 = scf.for %scan3A_723 = %scan3A_460 to %scan3A_462 step %scan3A_463 iter_args(%scan3A_724 = %broadcast_in_dim3A_22, %scan3A_725 = %broadcast_in_dim3A_22, %scan3A_726 = %broadcast_in_dim3A_22, %scan3A_727 = %broadcast_in_dim3A_22, %scan3A_728 = %broadcast_in_dim3A_22) -> (vector<16xf32>, vector<16xf32>, vector<16xf32>, vector<16xf32>, vector<16xf32>)  : i32 {
      %mul3A_729 = arith.constant 80 : i32
      %mul3A_730 = arith.muli %scan3A_723, %mul3A_729 : i32
      %add3A_731 = arith.constant 0 : i32
      %add3A_732 = arith.addi %add3A_731, %mul3A_730 : i32
      %add3A_733 = arith.constant 0 : i32
      %add3A_734 = arith.addi %add3A_732, %add3A_733 : i32
      %get3A = arith.index_cast %add3A_734 : i32 to index
      %get3A_735 = tpu.vector_load %arg5[%get3A] {strides = array<i32>} : memref<10000xf32, #tpu.memory_space<vmem>>, vector<16xf32>,
      %get3A_736 = vector.shape_cast %get3A_735 : vector<16xf32> to vector<16xf32>
      %max3A_737 = arith.maximumf %scan3A_724, %get3A_736 : vector<16xf32>
      %add3A_738 = arith.constant 16 : i32
      %add3A_739 = arith.addi %add3A_732, %add3A_738 : i32
      %get3A_740 = arith.index_cast %add3A_739 : i32 to index
      %get3A_741 = tpu.vector_load %arg5[%get3A_740] {strides = array<i32>} : memref<10000xf32, #tpu.memory_space<vmem>>, vector<16xf32>,
      %get3A_742 = vector.shape_cast %get3A_741 : vector<16xf32> to vector<16xf32>
      %max3A_743 = arith.maximumf %scan3A_725, %get3A_742 : vector<16xf32>
      %add3A_744 = arith.constant 32 : i32
      %add3A_745 = arith.addi %add3A_732, %add3A_744 : i32
      %get3A_746 = arith.index_cast %add3A_745 : i32 to index
      %get3A_747 = tpu.vector_load %arg5[%get3A_746] {strides = array<i32>} : memref<10000xf32, #tpu.memory_space<vmem>>, vector<16xf32>,
      %get3A_748 = vector.shape_cast %get3A_747 : vector<16xf32> to vector<16xf32>
      %max3A_749 = arith.maximumf %scan3A_726, %get3A_748 : vector<16xf32>
      %add3A_750 = arith.constant 48 : i32
      %add3A_751 = arith.addi %add3A_732, %add3A_750 : i32
      %get3A_752 = arith.index_cast %add3A_751 : i32 to index
      %get3A_753 = tpu.vector_load %arg5[%get3A_752] {strides = array<i32>} : memref<10000xf32, #tpu.memory_space<vmem>>, vector<16xf32>,
      %get3A_754 = vector.shape_cast %get3A_753 : vector<16xf32> to vector<16xf32>
      %max3A_755 = arith.maximumf %scan3A_727, %get3A_754 : vector<16xf32>
      %add3A_756 = arith.constant 64 : i32
      %add3A_757 = arith.addi %add3A_732, %add3A_756 : i32
      %get3A_758 = arith.index_cast %add3A_757 : i32 to index
      %get3A_759 = tpu.vector_load %arg5[%get3A_758] {strides = array<i32>} : memref<10000xf32, #tpu.memory_space<vmem>>, vector<16xf32>,
      %get3A_760 = vector.shape_cast %get3A_759 : vector<16xf32> to vector<16xf32>
      %max3A_761 = arith.maximumf %scan3A_728, %get3A_760 : vector<16xf32>
      scf.yield %max3A_737, %max3A_743, %max3A_749, %max3A_755, %max3A_761 : vector<16xf32>, vector<16xf32>, vector<16xf32>, vector<16xf32>, vector<16xf32>
    }
    %scan3A_465 = arith.constant 125 : i32
    %max3A_466 = arith.maximumf %scan3A_464#0, %scan3A_464#1 : vector<16xf32>
    %max3A_467 = arith.maximumf %max3A_466, %scan3A_464#2 : vector<16xf32>
    %max3A_468 = arith.maximumf %max3A_467, %scan3A_464#3 : vector<16xf32>
    %max3A_469 = arith.maximumf %max3A_468, %scan3A_464#4 : vector<16xf32>
    %xor3A_470 = arith.constant 8 : i32
    %xor3A_471 = vector.broadcast %xor3A_470 : i32 to vector<16xi32>
    %xor3A_472 = arith.xori %iota3A, %xor3A_471 : vector<16xi32>
    %broadcast_in_dim3A_473 = vector.shape_cast %xor3A_472 : vector<16xi32> to vector<16x1xi32>
    %gather3A_474 = vector.shape_cast %broadcast_in_dim3A_473 : vector<16x1xi32> to vector<16xi32>
    %gather3A_475 = tpu.dynamic_gather %max3A_469[%gather3A_474] in [0] : vector<16xf32>, vector<16xi32> -> vector<16xf32>
    %max3A_476 = arith.maximumf %max3A_469, %gather3A_475 : vector<16xf32>
    %xor3A_477 = arith.constant 4 : i32
    %xor3A_478 = vector.broadcast %xor3A_477 : i32 to vector<16xi32>
    %xor3A_479 = arith.xori %iota3A, %xor3A_478 : vector<16xi32>
    %broadcast_in_dim3A_480 = vector.shape_cast %xor3A_479 : vector<16xi32> to vector<16x1xi32>
    %gather3A_481 = vector.shape_cast %broadcast_in_dim3A_480 : vector<16x1xi32> to vector<16xi32>
    %gather3A_482 = tpu.dynamic_gather %max3A_476[%gather3A_481] in [0] : vector<16xf32>, vector<16xi32> -> vector<16xf32>
    %max3A_483 = arith.maximumf %max3A_476, %gather3A_482 : vector<16xf32>
    %xor3A_484 = arith.constant 2 : i32
    %xor3A_485 = vector.broadcast %xor3A_484 : i32 to vector<16xi32>
    %xor3A_486 = arith.xori %iota3A, %xor3A_485 : vector<16xi32>
    %broadcast_in_dim3A_487 = vector.shape_cast %xor3A_486 : vector<16xi32> to vector<16x1xi32>
    %gather3A_488 = vector.shape_cast %broadcast_in_dim3A_487 : vector<16x1xi32> to vector<16xi32>
    %gather3A_489 = tpu.dynamic_gather %max3A_483[%gather3A_488] in [0] : vector<16xf32>, vector<16xi32> -> vector<16xf32>
    %max3A_490 = arith.maximumf %max3A_483, %gather3A_489 : vector<16xf32>
    %xor3A_491 = arith.constant 1 : i32
    %xor3A_492 = vector.broadcast %xor3A_491 : i32 to vector<16xi32>
    %xor3A_493 = arith.xori %iota3A, %xor3A_492 : vector<16xi32>
    %broadcast_in_dim3A_494 = vector.shape_cast %xor3A_493 : vector<16xi32> to vector<16x1xi32>
    %gather3A_495 = vector.shape_cast %broadcast_in_dim3A_494 : vector<16x1xi32> to vector<16xi32>
    %gather3A_496 = tpu.dynamic_gather %max3A_490[%gather3A_495] in [0] : vector<16xf32>, vector<16xi32> -> vector<16xf32>
    %max3A_497 = arith.maximumf %max3A_490, %gather3A_496 : vector<16xf32>
    %eq3A_498 = arith.constant 9 : i32
    %eq3A_499 = vector.broadcast %eq3A_498 : i32 to vector<16xi32>
    %eq3A_500 = arith.cmpi eq, %iota3A, %eq3A_499 : vector<16xi32>
    %select_n3A_501 = arith.select %eq3A_500, %max3A_497, %select_n3A_455 : vector<16xi1>, vector<16xf32>
    %xor3A_502 = arith.constant 8 : i32
    %xor3A_503 = vector.broadcast %xor3A_502 : i32 to vector<16xi32>
    %xor3A_504 = arith.xori %iota3A, %xor3A_503 : vector<16xi32>
    %broadcast_in_dim3A_505 = vector.shape_cast %xor3A_504 : vector<16xi32> to vector<16x1xi32>
    %gather3A_506 = vector.shape_cast %broadcast_in_dim3A_505 : vector<16x1xi32> to vector<16xi32>
    %gather3A_507 = tpu.dynamic_gather %select_n3A_501[%gather3A_506] in [0] : vector<16xf32>, vector<16xi32> -> vector<16xf32>
    %xor3A_508 = arith.constant 8 : i32
    %xor3A_509 = vector.broadcast %xor3A_508 : i32 to vector<16xi32>
    %xor3A_510 = arith.xori %iota3A, %xor3A_509 : vector<16xi32>
    %broadcast_in_dim3A_511 = vector.shape_cast %xor3A_510 : vector<16xi32> to vector<16x1xi32>
    %gather3A_512 = vector.shape_cast %broadcast_in_dim3A_511 : vector<16x1xi32> to vector<16xi32>
    %gather3A_513 = tpu.dynamic_gather %iota3A[%gather3A_512] in [0] : vector<16xi32>, vector<16xi32> -> vector<16xi32>
    %gt3A = arith.cmpf ogt, %gather3A_507, %select_n3A_501 : vector<16xf32>
    %eq3A_514 = arith.cmpf oeq, %gather3A_507, %select_n3A_501 : vector<16xf32>
    %lt3A = arith.cmpi slt, %gather3A_513, %iota3A : vector<16xi32>
    %and3A = arith.andi %eq3A_514, %lt3A : vector<16xi1>
    %or3A = arith.ori %gt3A, %and3A : vector<16xi1>
    %select_n3A_515 = arith.select %or3A, %gather3A_507, %select_n3A_501 : vector<16xi1>, vector<16xf32>
    %select_n3A_516 = arith.select %or3A, %gather3A_513, %iota3A : vector<16xi1>, vector<16xi32>
    %xor3A_517 = arith.constant 4 : i32
    %xor3A_518 = vector.broadcast %xor3A_517 : i32 to vector<16xi32>
    %xor3A_519 = arith.xori %iota3A, %xor3A_518 : vector<16xi32>
    %broadcast_in_dim3A_520 = vector.shape_cast %xor3A_519 : vector<16xi32> to vector<16x1xi32>
    %gather3A_521 = vector.shape_cast %broadcast_in_dim3A_520 : vector<16x1xi32> to vector<16xi32>
    %gather3A_522 = tpu.dynamic_gather %select_n3A_515[%gather3A_521] in [0] : vector<16xf32>, vector<16xi32> -> vector<16xf32>
    %xor3A_523 = arith.constant 4 : i32
    %xor3A_524 = vector.broadcast %xor3A_523 : i32 to vector<16xi32>
    %xor3A_525 = arith.xori %iota3A, %xor3A_524 : vector<16xi32>
    %broadcast_in_dim3A_526 = vector.shape_cast %xor3A_525 : vector<16xi32> to vector<16x1xi32>
    %gather3A_527 = vector.shape_cast %broadcast_in_dim3A_526 : vector<16x1xi32> to vector<16xi32>
    %gather3A_528 = tpu.dynamic_gather %select_n3A_516[%gather3A_527] in [0] : vector<16xi32>, vector<16xi32> -> vector<16xi32>
    %gt3A_529 = arith.cmpf ogt, %gather3A_522, %select_n3A_515 : vector<16xf32>
    %eq3A_530 = arith.cmpf oeq, %gather3A_522, %select_n3A_515 : vector<16xf32>
    %lt3A_531 = arith.cmpi slt, %gather3A_528, %select_n3A_516 : vector<16xi32>
    %and3A_532 = arith.andi %eq3A_530, %lt3A_531 : vector<16xi1>
    %or3A_533 = arith.ori %gt3A_529, %and3A_532 : vector<16xi1>
    %select_n3A_534 = arith.select %or3A_533, %gather3A_522, %select_n3A_515 : vector<16xi1>, vector<16xf32>
    %select_n3A_535 = arith.select %or3A_533, %gather3A_528, %select_n3A_516 : vector<16xi1>, vector<16xi32>
    %xor3A_536 = arith.constant 2 : i32
    %xor3A_537 = vector.broadcast %xor3A_536 : i32 to vector<16xi32>
    %xor3A_538 = arith.xori %iota3A, %xor3A_537 : vector<16xi32>
    %broadcast_in_dim3A_539 = vector.shape_cast %xor3A_538 : vector<16xi32> to vector<16x1xi32>
    %gather3A_540 = vector.shape_cast %broadcast_in_dim3A_539 : vector<16x1xi32> to vector<16xi32>
    %gather3A_541 = tpu.dynamic_gather %select_n3A_534[%gather3A_540] in [0] : vector<16xf32>, vector<16xi32> -> vector<16xf32>
    %xor3A_542 = arith.constant 2 : i32
    %xor3A_543 = vector.broadcast %xor3A_542 : i32 to vector<16xi32>
    %xor3A_544 = arith.xori %iota3A, %xor3A_543 : vector<16xi32>
    %broadcast_in_dim3A_545 = vector.shape_cast %xor3A_544 : vector<16xi32> to vector<16x1xi32>
    %gather3A_546 = vector.shape_cast %broadcast_in_dim3A_545 : vector<16x1xi32> to vector<16xi32>
    %gather3A_547 = tpu.dynamic_gather %select_n3A_535[%gather3A_546] in [0] : vector<16xi32>, vector<16xi32> -> vector<16xi32>
    %gt3A_548 = arith.cmpf ogt, %gather3A_541, %select_n3A_534 : vector<16xf32>
    %eq3A_549 = arith.cmpf oeq, %gather3A_541, %select_n3A_534 : vector<16xf32>
    %lt3A_550 = arith.cmpi slt, %gather3A_547, %select_n3A_535 : vector<16xi32>
    %and3A_551 = arith.andi %eq3A_549, %lt3A_550 : vector<16xi1>
    %or3A_552 = arith.ori %gt3A_548, %and3A_551 : vector<16xi1>
    %select_n3A_553 = arith.select %or3A_552, %gather3A_541, %select_n3A_534 : vector<16xi1>, vector<16xf32>
    %select_n3A_554 = arith.select %or3A_552, %gather3A_547, %select_n3A_535 : vector<16xi1>, vector<16xi32>
    %xor3A_555 = arith.constant 1 : i32
    %xor3A_556 = vector.broadcast %xor3A_555 : i32 to vector<16xi32>
    %xor3A_557 = arith.xori %iota3A, %xor3A_556 : vector<16xi32>
    %broadcast_in_dim3A_558 = vector.shape_cast %xor3A_557 : vector<16xi32> to vector<16x1xi32>
    %gather3A_559 = vector.shape_cast %broadcast_in_dim3A_558 : vector<16x1xi32> to vector<16xi32>
    %gather3A_560 = tpu.dynamic_gather %select_n3A_553[%gather3A_559] in [0] : vector<16xf32>, vector<16xi32> -> vector<16xf32>
    %xor3A_561 = arith.constant 1 : i32
    %xor3A_562 = vector.broadcast %xor3A_561 : i32 to vector<16xi32>
    %xor3A_563 = arith.xori %iota3A, %xor3A_562 : vector<16xi32>
    %broadcast_in_dim3A_564 = vector.shape_cast %xor3A_563 : vector<16xi32> to vector<16x1xi32>
    %gather3A_565 = vector.shape_cast %broadcast_in_dim3A_564 : vector<16x1xi32> to vector<16xi32>
    %gather3A_566 = tpu.dynamic_gather %select_n3A_554[%gather3A_565] in [0] : vector<16xi32>, vector<16xi32> -> vector<16xi32>
    %gt3A_567 = arith.cmpf ogt, %gather3A_560, %select_n3A_553 : vector<16xf32>
    %eq3A_568 = arith.cmpf oeq, %gather3A_560, %select_n3A_553 : vector<16xf32>
    %lt3A_569 = arith.cmpi slt, %gather3A_566, %select_n3A_554 : vector<16xi32>
    %and3A_570 = arith.andi %eq3A_568, %lt3A_569 : vector<16xi1>
    %or3A_571 = arith.ori %gt3A_567, %and3A_570 : vector<16xi1>
    %select_n3A_572 = arith.select %or3A_571, %gather3A_560, %select_n3A_553 : vector<16xi1>, vector<16xf32>
    %select_n3A_573 = arith.select %or3A_571, %gather3A_566, %select_n3A_554 : vector<16xi1>, vector<16xi32>
    %slice3A = vector.extract_strided_slice %select_n3A_573 {offsets = [0], sizes = [1], strides = [1]} : vector<16xi32> to vector<1xi32>
    %squeeze3A = vector.extract %slice3A[0] : i32 from vector<1xi32>
    %add3A_574 = arith.constant 0 : i32
    %add3A_575 = arith.addi %mul3A_4, %add3A_574 : i32
    %mul3A_576 = arith.constant 10000 : i32
    %mul3A_577 = arith.muli %squeeze3A, %mul3A_576 : i32
    %add3A_578 = arith.addi %add3A_575, %mul3A_577 : i32
    %dma_start3A_579 = tpu.memref_slice %arg2[%add3A_578] : memref<3200000xf32, #tpu.memory_space<hbm>> -> memref<10000xf32, #tpu.memory_space<hbm>>
    %dma_start3A_580 = tpu.memref_slice %arg2[%add3A_578] : memref<3200000xf32, #tpu.memory_space<hbm>> -> memref<10000xf32, #tpu.memory_space<hbm>>
    tpu.enqueue_dma source(%dma_start3A_580 : memref<10000xf32, #tpu.memory_space<hbm>>) target(%arg8 : memref<10000xf32, #tpu.memory_space<vmem>>) target_semaphore(%arg14 : memref<!tpu.dma_semaphore, #tpu.memory_space<semaphore_mem>>)
    %dma_wait3A_581 = arith.constant 0 : i32
    %dma_wait3A_582 = tpu.memref_slice %arg2[%dma_wait3A_581] : memref<3200000xf32, #tpu.memory_space<hbm>> -> memref<10000xf32, #tpu.memory_space<hbm>>
    %dma_wait3A_583 = arith.constant 0 : i32
    %dma_wait3A_584 = tpu.memref_slice %arg2[%dma_wait3A_583] : memref<3200000xf32, #tpu.memory_space<hbm>> -> memref<10000xf32, #tpu.memory_space<hbm>>
    tpu.wait_dma2 semaphore(%arg14 : memref<!tpu.dma_semaphore, #tpu.memory_space<semaphore_mem>>) src(%dma_wait3A_584 : memref<10000xf32, #tpu.memory_space<hbm>>) dst(%arg8 : memref<10000xf32, #tpu.memory_space<vmem>>)
    %scan3A_585 = arith.constant 0 : i32
    %scan3A_586 = arith.constant 125 : i32
    %scan3A_587 = arith.addi %scan3A_585, %scan3A_586 : i32
    %scan3A_588 = arith.constant 1 : i32
    %scan3A_589:10 = scf.for %scan3A_723 = %scan3A_585 to %scan3A_587 step %scan3A_588 iter_args(%scan3A_724 = %broadcast_in_dim3A_22, %scan3A_725 = %broadcast_in_dim3A_24, %scan3A_726 = %broadcast_in_dim3A_22, %scan3A_727 = %broadcast_in_dim3A_24, %scan3A_728 = %broadcast_in_dim3A_22, %scan3A_729 = %broadcast_in_dim3A_24, %scan3A_730 = %broadcast_in_dim3A_22, %scan3A_731 = %broadcast_in_dim3A_24, %scan3A_732 = %broadcast_in_dim3A_22, %scan3A_733 = %broadcast_in_dim3A_24) -> (vector<16xf32>, vector<16xi32>, vector<16xf32>, vector<16xi32>, vector<16xf32>, vector<16xi32>, vector<16xf32>, vector<16xi32>, vector<16xf32>, vector<16xi32>)  : i32 {
      %mul3A_734 = arith.constant 80 : i32
      %mul3A_735 = arith.muli %scan3A_723, %mul3A_734 : i32
      %add3A_736 = arith.constant 0 : i32
      %add3A_737 = arith.addi %add3A_736, %mul3A_735 : i32
      %broadcast_in_dim3A_738 = vector.broadcast %add3A_737 : i32 to vector<16xi32>
      %add3A_739 = arith.constant 0 : i32
      %add3A_740 = arith.addi %add3A_737, %add3A_739 : i32
      %get3A = arith.index_cast %add3A_740 : i32 to index
      %get3A_741 = tpu.vector_load %arg8[%get3A] {strides = array<i32>} : memref<10000xf32, #tpu.memory_space<vmem>>, vector<16xf32>,
      %get3A_742 = vector.shape_cast %get3A_741 : vector<16xf32> to vector<16xf32>
      %gt3A_743 = arith.cmpf ogt, %get3A_742, %scan3A_724 : vector<16xf32>
      %select_n3A_744 = arith.select %gt3A_743, %get3A_742, %scan3A_724 : vector<16xi1>, vector<16xf32>
      %select_n3A_745 = arith.select %gt3A_743, %broadcast_in_dim3A_738, %scan3A_725 : vector<16xi1>, vector<16xi32>
      %add3A_746 = arith.constant 16 : i32
      %add3A_747 = arith.addi %add3A_737, %add3A_746 : i32
      %get3A_748 = arith.index_cast %add3A_747 : i32 to index
      %get3A_749 = tpu.vector_load %arg8[%get3A_748] {strides = array<i32>} : memref<10000xf32, #tpu.memory_space<vmem>>, vector<16xf32>,
      %get3A_750 = vector.shape_cast %get3A_749 : vector<16xf32> to vector<16xf32>
      %gt3A_751 = arith.cmpf ogt, %get3A_750, %scan3A_726 : vector<16xf32>
      %select_n3A_752 = arith.select %gt3A_751, %get3A_750, %scan3A_726 : vector<16xi1>, vector<16xf32>
      %select_n3A_753 = arith.select %gt3A_751, %broadcast_in_dim3A_738, %scan3A_727 : vector<16xi1>, vector<16xi32>
      %add3A_754 = arith.constant 32 : i32
      %add3A_755 = arith.addi %add3A_737, %add3A_754 : i32
      %get3A_756 = arith.index_cast %add3A_755 : i32 to index
      %get3A_757 = tpu.vector_load %arg8[%get3A_756] {strides = array<i32>} : memref<10000xf32, #tpu.memory_space<vmem>>, vector<16xf32>,
      %get3A_758 = vector.shape_cast %get3A_757 : vector<16xf32> to vector<16xf32>
      %gt3A_759 = arith.cmpf ogt, %get3A_758, %scan3A_728 : vector<16xf32>
      %select_n3A_760 = arith.select %gt3A_759, %get3A_758, %scan3A_728 : vector<16xi1>, vector<16xf32>
      %select_n3A_761 = arith.select %gt3A_759, %broadcast_in_dim3A_738, %scan3A_729 : vector<16xi1>, vector<16xi32>
      %add3A_762 = arith.constant 48 : i32
      %add3A_763 = arith.addi %add3A_737, %add3A_762 : i32
      %get3A_764 = arith.index_cast %add3A_763 : i32 to index
      %get3A_765 = tpu.vector_load %arg8[%get3A_764] {strides = array<i32>} : memref<10000xf32, #tpu.memory_space<vmem>>, vector<16xf32>,
      %get3A_766 = vector.shape_cast %get3A_765 : vector<16xf32> to vector<16xf32>
      %gt3A_767 = arith.cmpf ogt, %get3A_766, %scan3A_730 : vector<16xf32>
      %select_n3A_768 = arith.select %gt3A_767, %get3A_766, %scan3A_730 : vector<16xi1>, vector<16xf32>
      %select_n3A_769 = arith.select %gt3A_767, %broadcast_in_dim3A_738, %scan3A_731 : vector<16xi1>, vector<16xi32>
      %add3A_770 = arith.constant 64 : i32
      %add3A_771 = arith.addi %add3A_737, %add3A_770 : i32
      %get3A_772 = arith.index_cast %add3A_771 : i32 to index
      %get3A_773 = tpu.vector_load %arg8[%get3A_772] {strides = array<i32>} : memref<10000xf32, #tpu.memory_space<vmem>>, vector<16xf32>,
      %get3A_774 = vector.shape_cast %get3A_773 : vector<16xf32> to vector<16xf32>
      %gt3A_775 = arith.cmpf ogt, %get3A_774, %scan3A_732 : vector<16xf32>
      %select_n3A_776 = arith.select %gt3A_775, %get3A_774, %scan3A_732 : vector<16xi1>, vector<16xf32>
      %select_n3A_777 = arith.select %gt3A_775, %broadcast_in_dim3A_738, %scan3A_733 : vector<16xi1>, vector<16xi32>
      scf.yield %select_n3A_744, %select_n3A_745, %select_n3A_752, %select_n3A_753, %select_n3A_760, %select_n3A_761, %select_n3A_768, %select_n3A_769, %select_n3A_776, %select_n3A_777 : vector<16xf32>, vector<16xi32>, vector<16xf32>, vector<16xi32>, vector<16xf32>, vector<16xi32>, vector<16xf32>, vector<16xi32>, vector<16xf32>, vector<16xi32>
    }
    %scan3A_590 = arith.constant 125 : i32
    %add3A_591 = arith.addi %scan3A_589#1, %iota3A : vector<16xi32>
    %add3A_592 = arith.constant 16 : i32
    %add3A_593 = vector.broadcast %add3A_592 : i32 to vector<16xi32>
    %add3A_594 = arith.addi %iota3A, %add3A_593 : vector<16xi32>
    %add3A_595 = arith.addi %scan3A_589#3, %add3A_594 : vector<16xi32>
    %gt3A_596 = arith.cmpf ogt, %scan3A_589#2, %scan3A_589#0 : vector<16xf32>
    %eq3A_597 = arith.cmpf oeq, %scan3A_589#2, %scan3A_589#0 : vector<16xf32>
    %lt3A_598 = arith.cmpi slt, %add3A_595, %add3A_591 : vector<16xi32>
    %and3A_599 = arith.andi %eq3A_597, %lt3A_598 : vector<16xi1>
    %or3A_600 = arith.ori %gt3A_596, %and3A_599 : vector<16xi1>
    %select_n3A_601 = arith.select %or3A_600, %scan3A_589#2, %scan3A_589#0 : vector<16xi1>, vector<16xf32>
    %select_n3A_602 = arith.select %or3A_600, %add3A_595, %add3A_591 : vector<16xi1>, vector<16xi32>
    %add3A_603 = arith.constant 32 : i32
    %add3A_604 = vector.broadcast %add3A_603 : i32 to vector<16xi32>
    %add3A_605 = arith.addi %iota3A, %add3A_604 : vector<16xi32>
    %add3A_606 = arith.addi %scan3A_589#5, %add3A_605 : vector<16xi32>
    %gt3A_607 = arith.cmpf ogt, %scan3A_589#4, %select_n3A_601 : vector<16xf32>
    %eq3A_608 = arith.cmpf oeq, %scan3A_589#4, %select_n3A_601 : vector<16xf32>
    %lt3A_609 = arith.cmpi slt, %add3A_606, %select_n3A_602 : vector<16xi32>
    %and3A_610 = arith.andi %eq3A_608, %lt3A_609 : vector<16xi1>
    %or3A_611 = arith.ori %gt3A_607, %and3A_610 : vector<16xi1>
    %select_n3A_612 = arith.select %or3A_611, %scan3A_589#4, %select_n3A_601 : vector<16xi1>, vector<16xf32>
    %select_n3A_613 = arith.select %or3A_611, %add3A_606, %select_n3A_602 : vector<16xi1>, vector<16xi32>
    %add3A_614 = arith.constant 48 : i32
    %add3A_615 = vector.broadcast %add3A_614 : i32 to vector<16xi32>
    %add3A_616 = arith.addi %iota3A, %add3A_615 : vector<16xi32>
    %add3A_617 = arith.addi %scan3A_589#7, %add3A_616 : vector<16xi32>
    %gt3A_618 = arith.cmpf ogt, %scan3A_589#6, %select_n3A_612 : vector<16xf32>
    %eq3A_619 = arith.cmpf oeq, %scan3A_589#6, %select_n3A_612 : vector<16xf32>
    %lt3A_620 = arith.cmpi slt, %add3A_617, %select_n3A_613 : vector<16xi32>
    %and3A_621 = arith.andi %eq3A_619, %lt3A_620 : vector<16xi1>
    %or3A_622 = arith.ori %gt3A_618, %and3A_621 : vector<16xi1>
    %select_n3A_623 = arith.select %or3A_622, %scan3A_589#6, %select_n3A_612 : vector<16xi1>, vector<16xf32>
    %select_n3A_624 = arith.select %or3A_622, %add3A_617, %select_n3A_613 : vector<16xi1>, vector<16xi32>
    %add3A_625 = arith.constant 64 : i32
    %add3A_626 = vector.broadcast %add3A_625 : i32 to vector<16xi32>
    %add3A_627 = arith.addi %iota3A, %add3A_626 : vector<16xi32>
    %add3A_628 = arith.addi %scan3A_589#9, %add3A_627 : vector<16xi32>
    %gt3A_629 = arith.cmpf ogt, %scan3A_589#8, %select_n3A_623 : vector<16xf32>
    %eq3A_630 = arith.cmpf oeq, %scan3A_589#8, %select_n3A_623 : vector<16xf32>
    %lt3A_631 = arith.cmpi slt, %add3A_628, %select_n3A_624 : vector<16xi32>
    %and3A_632 = arith.andi %eq3A_630, %lt3A_631 : vector<16xi1>
    %or3A_633 = arith.ori %gt3A_629, %and3A_632 : vector<16xi1>
    %select_n3A_634 = arith.select %or3A_633, %scan3A_589#8, %select_n3A_623 : vector<16xi1>, vector<16xf32>
    %select_n3A_635 = arith.select %or3A_633, %add3A_628, %select_n3A_624 : vector<16xi1>, vector<16xi32>
    %xor3A_636 = arith.constant 8 : i32
    %xor3A_637 = vector.broadcast %xor3A_636 : i32 to vector<16xi32>
    %xor3A_638 = arith.xori %iota3A, %xor3A_637 : vector<16xi32>
    %broadcast_in_dim3A_639 = vector.shape_cast %xor3A_638 : vector<16xi32> to vector<16x1xi32>
    %gather3A_640 = vector.shape_cast %broadcast_in_dim3A_639 : vector<16x1xi32> to vector<16xi32>
    %gather3A_641 = tpu.dynamic_gather %select_n3A_634[%gather3A_640] in [0] : vector<16xf32>, vector<16xi32> -> vector<16xf32>
    %xor3A_642 = arith.constant 8 : i32
    %xor3A_643 = vector.broadcast %xor3A_642 : i32 to vector<16xi32>
    %xor3A_644 = arith.xori %iota3A, %xor3A_643 : vector<16xi32>
    %broadcast_in_dim3A_645 = vector.shape_cast %xor3A_644 : vector<16xi32> to vector<16x1xi32>
    %gather3A_646 = vector.shape_cast %broadcast_in_dim3A_645 : vector<16x1xi32> to vector<16xi32>
    %gather3A_647 = tpu.dynamic_gather %select_n3A_635[%gather3A_646] in [0] : vector<16xi32>, vector<16xi32> -> vector<16xi32>
    %gt3A_648 = arith.cmpf ogt, %gather3A_641, %select_n3A_634 : vector<16xf32>
    %eq3A_649 = arith.cmpf oeq, %gather3A_641, %select_n3A_634 : vector<16xf32>
    %lt3A_650 = arith.cmpi slt, %gather3A_647, %select_n3A_635 : vector<16xi32>
    %and3A_651 = arith.andi %eq3A_649, %lt3A_650 : vector<16xi1>
    %or3A_652 = arith.ori %gt3A_648, %and3A_651 : vector<16xi1>
    %select_n3A_653 = arith.select %or3A_652, %gather3A_641, %select_n3A_634 : vector<16xi1>, vector<16xf32>
    %select_n3A_654 = arith.select %or3A_652, %gather3A_647, %select_n3A_635 : vector<16xi1>, vector<16xi32>
    %xor3A_655 = arith.constant 4 : i32
    %xor3A_656 = vector.broadcast %xor3A_655 : i32 to vector<16xi32>
    %xor3A_657 = arith.xori %iota3A, %xor3A_656 : vector<16xi32>
    %broadcast_in_dim3A_658 = vector.shape_cast %xor3A_657 : vector<16xi32> to vector<16x1xi32>
    %gather3A_659 = vector.shape_cast %broadcast_in_dim3A_658 : vector<16x1xi32> to vector<16xi32>
    %gather3A_660 = tpu.dynamic_gather %select_n3A_653[%gather3A_659] in [0] : vector<16xf32>, vector<16xi32> -> vector<16xf32>
    %xor3A_661 = arith.constant 4 : i32
    %xor3A_662 = vector.broadcast %xor3A_661 : i32 to vector<16xi32>
    %xor3A_663 = arith.xori %iota3A, %xor3A_662 : vector<16xi32>
    %broadcast_in_dim3A_664 = vector.shape_cast %xor3A_663 : vector<16xi32> to vector<16x1xi32>
    %gather3A_665 = vector.shape_cast %broadcast_in_dim3A_664 : vector<16x1xi32> to vector<16xi32>
    %gather3A_666 = tpu.dynamic_gather %select_n3A_654[%gather3A_665] in [0] : vector<16xi32>, vector<16xi32> -> vector<16xi32>
    %gt3A_667 = arith.cmpf ogt, %gather3A_660, %select_n3A_653 : vector<16xf32>
    %eq3A_668 = arith.cmpf oeq, %gather3A_660, %select_n3A_653 : vector<16xf32>
    %lt3A_669 = arith.cmpi slt, %gather3A_666, %select_n3A_654 : vector<16xi32>
    %and3A_670 = arith.andi %eq3A_668, %lt3A_669 : vector<16xi1>
    %or3A_671 = arith.ori %gt3A_667, %and3A_670 : vector<16xi1>
    %select_n3A_672 = arith.select %or3A_671, %gather3A_660, %select_n3A_653 : vector<16xi1>, vector<16xf32>
    %select_n3A_673 = arith.select %or3A_671, %gather3A_666, %select_n3A_654 : vector<16xi1>, vector<16xi32>
    %xor3A_674 = arith.constant 2 : i32
    %xor3A_675 = vector.broadcast %xor3A_674 : i32 to vector<16xi32>
    %xor3A_676 = arith.xori %iota3A, %xor3A_675 : vector<16xi32>
    %broadcast_in_dim3A_677 = vector.shape_cast %xor3A_676 : vector<16xi32> to vector<16x1xi32>
    %gather3A_678 = vector.shape_cast %broadcast_in_dim3A_677 : vector<16x1xi32> to vector<16xi32>
    %gather3A_679 = tpu.dynamic_gather %select_n3A_672[%gather3A_678] in [0] : vector<16xf32>, vector<16xi32> -> vector<16xf32>
    %xor3A_680 = arith.constant 2 : i32
    %xor3A_681 = vector.broadcast %xor3A_680 : i32 to vector<16xi32>
    %xor3A_682 = arith.xori %iota3A, %xor3A_681 : vector<16xi32>
    %broadcast_in_dim3A_683 = vector.shape_cast %xor3A_682 : vector<16xi32> to vector<16x1xi32>
    %gather3A_684 = vector.shape_cast %broadcast_in_dim3A_683 : vector<16x1xi32> to vector<16xi32>
    %gather3A_685 = tpu.dynamic_gather %select_n3A_673[%gather3A_684] in [0] : vector<16xi32>, vector<16xi32> -> vector<16xi32>
    %gt3A_686 = arith.cmpf ogt, %gather3A_679, %select_n3A_672 : vector<16xf32>
    %eq3A_687 = arith.cmpf oeq, %gather3A_679, %select_n3A_672 : vector<16xf32>
    %lt3A_688 = arith.cmpi slt, %gather3A_685, %select_n3A_673 : vector<16xi32>
    %and3A_689 = arith.andi %eq3A_687, %lt3A_688 : vector<16xi1>
    %or3A_690 = arith.ori %gt3A_686, %and3A_689 : vector<16xi1>
    %select_n3A_691 = arith.select %or3A_690, %gather3A_679, %select_n3A_672 : vector<16xi1>, vector<16xf32>
    %select_n3A_692 = arith.select %or3A_690, %gather3A_685, %select_n3A_673 : vector<16xi1>, vector<16xi32>
    %xor3A_693 = arith.constant 1 : i32
    %xor3A_694 = vector.broadcast %xor3A_693 : i32 to vector<16xi32>
    %xor3A_695 = arith.xori %iota3A, %xor3A_694 : vector<16xi32>
    %broadcast_in_dim3A_696 = vector.shape_cast %xor3A_695 : vector<16xi32> to vector<16x1xi32>
    %gather3A_697 = vector.shape_cast %broadcast_in_dim3A_696 : vector<16x1xi32> to vector<16xi32>
    %gather3A_698 = tpu.dynamic_gather %select_n3A_691[%gather3A_697] in [0] : vector<16xf32>, vector<16xi32> -> vector<16xf32>
    %xor3A_699 = arith.constant 1 : i32
    %xor3A_700 = vector.broadcast %xor3A_699 : i32 to vector<16xi32>
    %xor3A_701 = arith.xori %iota3A, %xor3A_700 : vector<16xi32>
    %broadcast_in_dim3A_702 = vector.shape_cast %xor3A_701 : vector<16xi32> to vector<16x1xi32>
    %gather3A_703 = vector.shape_cast %broadcast_in_dim3A_702 : vector<16x1xi32> to vector<16xi32>
    %gather3A_704 = tpu.dynamic_gather %select_n3A_692[%gather3A_703] in [0] : vector<16xi32>, vector<16xi32> -> vector<16xi32>
    %gt3A_705 = arith.cmpf ogt, %gather3A_698, %select_n3A_691 : vector<16xf32>
    %eq3A_706 = arith.cmpf oeq, %gather3A_698, %select_n3A_691 : vector<16xf32>
    %lt3A_707 = arith.cmpi slt, %gather3A_704, %select_n3A_692 : vector<16xi32>
    %and3A_708 = arith.andi %eq3A_706, %lt3A_707 : vector<16xi1>
    %or3A_709 = arith.ori %gt3A_705, %and3A_708 : vector<16xi1>
    %select_n3A_710 = arith.select %or3A_709, %gather3A_698, %select_n3A_691 : vector<16xi1>, vector<16xf32>
    %select_n3A_711 = arith.select %or3A_709, %gather3A_704, %select_n3A_692 : vector<16xi1>, vector<16xi32>
    %eq3A_712 = arith.constant 0 : i32
    %eq3A_713 = vector.broadcast %eq3A_712 : i32 to vector<16xi32>
    %eq3A_714 = arith.cmpi eq, %iota3A, %eq3A_713 : vector<16xi32>
    %mul3A_715 = arith.constant 10000 : i32
    %mul3A_716 = vector.broadcast %mul3A_715 : i32 to vector<16xi32>
    %mul3A_717 = arith.muli %select_n3A_573, %mul3A_716 : vector<16xi32>
    %add3A_718 = arith.addi %mul3A_717, %select_n3A_711 : vector<16xi32>
    %select_n3A_719 = arith.select %eq3A_714, %add3A_718, %broadcast_in_dim3A_20 : vector<16xi1>, vector<16xi32>
    %swap3A = arith.constant 0 : index
    %swap3A_720 = tpu.vector_load %arg9[%swap3A] {strides = array<i32>} : memref<16xi32, #tpu.memory_space<vmem>>, vector<16xi32>,
    %swap3A_721 = vector.shape_cast %swap3A_720 : vector<16xi32> to vector<16xi32>
    %swap3A_722 = vector.shape_cast %select_n3A_719 : vector<16xi32> to vector<16xi32>
    tpu.vector_store %arg9[%swap3A], %swap3A_722 {strides = array<i32>} : memref<16xi32, #tpu.memory_space<vmem>>, vector<16xi32>,
    "tpu.region"() ({
      %run_scoped3A = tpu.sem_alloc : memref<!tpu.dma_semaphore, #tpu.memory_space<semaphore_mem>>
      %dma_start3A_723 = arith.constant 0 : i32
      %dma_start3A_724 = tpu.memref_slice %arg3[%add3A, %dma_start3A_723] : memref<32x16xi32, #tpu.memory_space<hbm>> -> memref<1x16xi32, #tpu.memory_space<hbm>>
      %dma_start3A_725 = tpu.memref_squeeze %dma_start3A_724 : memref<1x16xi32, #tpu.memory_space<hbm>> -> memref<16xi32, #tpu.memory_space<hbm>>
      %dma_start3A_726 = arith.constant 0 : i32
      %dma_start3A_727 = tpu.memref_slice %arg3[%add3A, %dma_start3A_726] : memref<32x16xi32, #tpu.memory_space<hbm>> -> memref<1x16xi32, #tpu.memory_space<hbm>>
      %dma_start3A_728 = tpu.memref_squeeze %dma_start3A_727 : memref<1x16xi32, #tpu.memory_space<hbm>> -> memref<16xi32, #tpu.memory_space<hbm>>
      tpu.enqueue_dma source(%arg9 : memref<16xi32, #tpu.memory_space<vmem>>) target(%dma_start3A_728 : memref<16xi32, #tpu.memory_space<hbm>>) target_semaphore(%run_scoped3A : memref<!tpu.dma_semaphore, #tpu.memory_space<semaphore_mem>>)
      %dma_wait3A_729 = arith.constant 0 : i32
      %dma_wait3A_730 = tpu.memref_slice %arg3[%add3A, %dma_wait3A_729] : memref<32x16xi32, #tpu.memory_space<hbm>> -> memref<1x16xi32, #tpu.memory_space<hbm>>
      %dma_wait3A_731 = tpu.memref_squeeze %dma_wait3A_730 : memref<1x16xi32, #tpu.memory_space<hbm>> -> memref<16xi32, #tpu.memory_space<hbm>>
      %dma_wait3A_732 = arith.constant 0 : i32
      %dma_wait3A_733 = tpu.memref_slice %arg3[%add3A, %dma_wait3A_732] : memref<32x16xi32, #tpu.memory_space<hbm>> -> memref<1x16xi32, #tpu.memory_space<hbm>>
      %dma_wait3A_734 = tpu.memref_squeeze %dma_wait3A_733 : memref<1x16xi32, #tpu.memory_space<hbm>> -> memref<16xi32, #tpu.memory_space<hbm>>
      tpu.wait_dma2 semaphore(%run_scoped3A : memref<!tpu.dma_semaphore, #tpu.memory_space<semaphore_mem>>) src(%arg9 : memref<16xi32, #tpu.memory_space<vmem>>) dst(%dma_wait3A_734 : memref<16xi32, #tpu.memory_space<hbm>>)
      tpu.yield
    }) : () -> ()
    return
  }
}

module attributes {stable_mosaic.version = 14 : i64} {
  func.func @_tc_argmax_body(%arg0: i32, %arg1: memref<8x100000xf32, #tpu.memory_space<vmem>>, %arg2: memref<8x1xi32, #tpu.memory_space<vmem>>) attributes {dimension_semantics = [#tpu.dimension_semantics<arbitrary>], iteration_bounds = array<i64: 12>, scalar_prefetch = 0 : i64, scratch_operands = 0 : i64, tpu.core_type = #tpu.core_type<tc>, window_params = [{transform_indices = @transform_0, window_bounds = array<i64: 8, 100000>}, {transform_indices = @transform_1, window_bounds = array<i64: 8, 1>}]} {
    %get3A = arith.constant 0 : index
    %get3A_0 = arith.constant 0 : index
    %get3A_1 = vector.load %arg1[%get3A, %get3A_0] : memref<8x100000xf32, #tpu.memory_space<vmem>>, vector<8x100000xf32>
    %reduce_max3A = arith.constant dense<0xFF800000> : vector<8xf32>
    %reduce_max3A_2 = vector.multi_reduction <maximumf>, %get3A_1, %reduce_max3A [1] : vector<8x100000xf32> to vector<8xf32>
    %iota3A = tpu.iota {dimensions = array<i32: 1>} : vector<8x100000xi32>
    %broadcast_in_dim3A = vector.shape_cast %reduce_max3A_2 : vector<8xf32> to vector<8x1xf32>
    %eq3A = vector.broadcast %broadcast_in_dim3A : vector<8x1xf32> to vector<8x100000xf32>
    %eq3A_3 = arith.cmpf oeq, %get3A_1, %eq3A : vector<8x100000xf32>
    %jit3A = arith.constant 100000 : i32
    %broadcast_in_dim3A_4 = vector.broadcast %jit3A : i32 to vector<8x100000xi32>
    %select_n3A = arith.select %eq3A_3, %iota3A, %broadcast_in_dim3A_4 : vector<8x100000xi1>, vector<8x100000xi32>
    %reduce_min3A = arith.constant dense<2147483647> : vector<8xi32>
    %reduce_min3A_5 = vector.multi_reduction <minsi>, %select_n3A, %reduce_min3A [1] : vector<8x100000xi32> to vector<8xi32>
    %broadcast_in_dim3A_6 = vector.shape_cast %reduce_min3A_5 : vector<8xi32> to vector<8x1xi32>
    %swap3A = arith.constant 0 : index
    %swap3A_7 = arith.constant 0 : index
    %swap3A_8 = vector.load %arg2[%swap3A, %swap3A_7] : memref<8x1xi32, #tpu.memory_space<vmem>>, vector<8x1xi32>
    tpu.vector_store %arg2[%swap3A, %swap3A_7], %broadcast_in_dim3A_6 {strides = array<i32>} : memref<8x1xi32, #tpu.memory_space<vmem>>, vector<8x1xi32>,
    return
  }
  func.func @transform_0(%arg0: i32) -> (i32, i32) {
    %c0_i32 = arith.constant 0 : i32
    %c0_i32_0 = arith.constant 0 : i32
    return %arg0, %c0_i32 : i32, i32
  }
  func.func @transform_1(%arg0: i32) -> (i32, i32) {
    %c0_i32 = arith.constant 0 : i32
    %c0_i32_0 = arith.constant 0 : i32
    return %arg0, %c0_i32 : i32, i32
  }
}

</mosaic_0001>

<sc_bundles>
// kernel: _hybrid.4.cloned.1.call-start
scs
__scs_entry_jumppad:
0x0: {  	(pc) =	sbr.rel $0x88, $3  }
0x1: {  	(tag) =	ssettag $0x0;
	lr =	simm.s32 $0x1  }
0x2: {  	[smem:$0x3FA0] =	sst lr;
	_ =	strace $0xD0000000  }
0x3: {  	_ = 	snop  }
0x4: {  	_ = 	snop  }
0x5: {  	_ = 	snop  }
0x6: {  	_ = 	snop  }
0x7: {  	_ = 	snop  }
__scs_overlays_trampoline_lowered:
0x8: {  	[smem:$0x3FAF] =	sst s0  }
0x9: {  	[smem:$0x3FB0] =	sst s1  }
0xa: {  	[smem:$0x3FB1] =	sst s2  }
0xb: {  	[smem:$0x3FB2] =	sst s3  }
0xc: {  	[smem:$0x3FB3] =	sst s4  }
0xd: {  	[smem:$0x3FB4] =	sst s5  }
0xe: {  	[smem:$0x3FB5] =	sst s6  }
0xf: {  	[smem:$0x3FB6] =	sst s7  }
0x10: {  	[smem:$0x3FB7] =	sst s8  }
0x11: {  	[smem:$0x3FB8] =	sst s9;
	s0 =	simm.s32 @!p0 $0x0  }
0x12: {  	s1 =	sld [smem:$0x3F9E];
	s0 =	simm.s32 @p0 $0x1  }
0x13: {  	[smem:$0x3FB9] =	sst s0;
	s0 =	simm.s32 @!p1 $0x0  }
0x14: {  	s2 =	sld [smem:$0x3F9D];
	s0 =	simm.s32 @p1 $0x1  }
0x15: {  	[smem:$0x3FBA] =	sst s0;
	s0 =	simm.s32 @!p2 $0x0  }
0x16: {  	s3 =	sld [smem:$0x3FDB];
	s0 =	simm.s32 @p2 $0x1  }
0x17: {  	s4 =	simm.s32 $0x1BF5;
	[smem:$0x3FBC] =	sst s0  }
0x18: {  	s0 =	sld [smem:$0x3F9F];
	_ =	swait.ge [sflag:s4], $0x0  }
0x19: {  	s7 =	sld [smem:$0x3FA0]  }
0x1a: {  	s8 =	sadd.s32 $0xFFFFE003, lr  }
0x1b: {  	s9 =	sadd.s32 $0xFFFFFEF7, lr;
	s5 =	simm.s32 $0xFFFFFFFF;
	p2 =	slt.u32 s8, $0xFFFFF086  }
0x1c: {  	p1 =	slt.u32 s9, $0xF7A;
	s5 =	simm.s32 @!p2 $0x0  }
0x1d: {  	s5 =	simm.s32 @p1 $0x1;
	p0 =	seq.s32 s7, s2  }
0x1e: {  	s7 =	smul.u32 @!p0 $0xF7A, s2;
	p2 =	seq.s32 @!p0 s5, $0x0  }
0x1f: {  	s9 =	smul.u32 $0xF7A, s1;
	s8 =	simm.s32 @!p0 $0x1BF5;
	p2 =	por !p2, p0  }
0x20: {  	[sflag:s8] =	ssyncset.s32 @!p0 $0xFFFFF086;
	s6 =	sadd.s32 @!p0 s3, s7;
	s7 =	simm.s32 @!p0 $0x108  }
0x21: {  	s3 =	sadd.s32 s3, s9;
	s6 =	sadd.s32 @!p0 $0x88, s6;
	s7 =	simm.s32 @p2 $0x1082  }
0x22: {  	[simem:s7], [sflag:s8] =	dma.local @!p0 [hbm:s6], $0xF7A  }
0x23: {  	s9 =	sor.u32 $0xD0000000, s2;
	s6 =	simm.s32 $0x108;
	_ =	swait.ge @!p0 [sflag:s8], $0x0  }
0x24: {  	s3 =	sadd.s32 $0x88, s3;
	s6 =	simm.s32 @!p1 $0x1082;
	[sflag:s4] =	ssyncset.s32 $0xFFFFF086  }
0x25: {  	[simem:s6], [sflag:s4] =	dma.local [hbm:s3], $0xF7A  }
0x26: {  	[smem:$0x3FA0] =	sst s1;
	(tag) =	ssettag s2;
	_ =	strace s9  }
0x27: {  	s1 =	sld [smem:$0x3FB0]  }
0x28: {  	s2 =	sld [smem:$0x3FB1]  }
0x29: {  	s4 =	sld [smem:$0x3FB3]  }
0x2a: {  	p0 =	seq.s32 s5, $0x0;
	s5 =	sld [smem:$0x3FB4]  }
0x2b: {  	s6 =	sld [smem:$0x3FB5]  }
0x2c: {  	s7 =	sld [smem:$0x3FB6]  }
0x2d: {  	s3 =	simm.s32 $0x108;
	s8 =	sld [smem:$0x3FB7]  }
0x2e: {  	s3 =	simm.s32 @!p0 $0x1082;
	s9 =	sld [smem:$0x3FB8]  }
0x2f: {  	lr =	sadd.s32 s0, s3;
	s0 =	sld [smem:$0x3FAF]  }
0x30: {  	s3 =	sld [smem:$0x3FB2]  }
0x31: {  	[smem:$0x3FBB] =	sst s10  }
0x32: {  	s10 =	sld [smem:$0x3FB9];
	_ =	sdelay $0x3  }
0x33: {  	p0 =	seq.s32 s10, $0x1;
	s10 =	sld [smem:$0x3FBB];
	_ =	sdelay $0x3  }
0x34: {  	[smem:$0x3FBB] =	sst s10  }
0x35: {  	s10 =	sld [smem:$0x3FBA];
	_ =	sdelay $0x3  }
0x36: {  	p1 =	seq.s32 s10, $0x1;
	s10 =	sld [smem:$0x3FBB];
	_ =	sdelay $0x3  }
0x37: {  	[smem:$0x3FBB] =	sst s10  }
0x38: {  	s10 =	sld [smem:$0x3FBC]  }
0x39: {  	_ = 	snop;
	(pc) =	sbr.ind lr, $3  }
0x3a: {  	_ = 	snop  }
0x3b: {  	_ = 	snop  }
0x3c: {  	p2 =	seq.s32 s10, $0x1;
	s10 =	sld [smem:$0x3FBB]  }
0x3d: {  	_ =	shalt  }
0x3e: {  	_ =	shalt  }
0x3f: {  	_ =	shalt  }
0x40: {  	_ =	shalt  }
0x41: {  	_ =	shalt  }
0x42: {  	_ =	shalt  }
0x43: {  	_ =	shalt  }
0x44: {  	_ =	shalt  }
0x45: {  	_ =	shalt  }
0x46: {  	_ =	shalt  }
0x47: {  	_ =	shalt  }
0x48: {  	_ =	shalt  }
0x49: {  	_ =	shalt  }
0x4a: {  	_ =	shalt  }
0x4b: {  	_ =	shalt  }
0x4c: {  	_ =	shalt  }
0x4d: {  	_ =	shalt  }
0x4e: {  	_ =	shalt  }
0x4f: {  	_ =	shalt  }
0x50: {  	_ =	shalt  }
0x51: {  	_ =	shalt  }
0x52: {  	_ =	shalt  }
0x53: {  	_ =	shalt  }
0x54: {  	_ =	shalt  }
0x55: {  	_ =	shalt  }
0x56: {  	_ =	shalt  }
0x57: {  	_ =	shalt  }
0x58: {  	_ =	shalt  }
0x59: {  	_ =	shalt  }
0x5a: {  	_ =	shalt  }
0x5b: {  	_ =	shalt  }
0x5c: {  	_ =	shalt  }
0x5d: {  	_ =	shalt  }
0x5e: {  	_ =	shalt  }
0x5f: {  	_ =	shalt  }
0x60: {  	_ =	shalt  }
0x61: {  	_ =	shalt  }
0x62: {  	_ =	shalt  }
0x63: {  	_ =	shalt  }
0x64: {  	_ =	shalt  }
0x65: {  	_ =	shalt  }
0x66: {  	_ =	shalt  }
0x67: {  	_ =	shalt  }
0x68: {  	_ =	shalt  }
0x69: {  	_ =	shalt  }
0x6a: {  	_ =	shalt  }
0x6b: {  	_ =	shalt  }
0x6c: {  	_ =	shalt  }
0x6d: {  	_ =	shalt  }
0x6e: {  	_ =	shalt  }
0x6f: {  	_ =	shalt  }
0x70: {  	_ =	shalt  }
0x71: {  	_ =	shalt  }
0x72: {  	_ =	shalt  }
0x73: {  	_ =	shalt  }
0x74: {  	_ =	shalt  }
0x75: {  	_ =	shalt  }
0x76: {  	_ =	shalt  }
0x77: {  	_ =	shalt  }
0x78: {  	_ =	shalt  }
0x79: {  	_ =	shalt  }
0x7a: {  	_ =	shalt  }
0x7b: {  	_ =	shalt  }
0x7c: {  	_ =	shalt  }
0x7d: {  	_ =	shalt  }
0x7e: {  	_ =	shalt  }
0x7f: {  	_ =	shalt  }
0x80: {  	_ =	shalt  }
0x81: {  	_ =	shalt  }
0x82: {  	_ =	shalt  }
0x83: {  	_ =	shalt  }
0x84: {  	_ =	shalt  }
0x85: {  	_ =	shalt  }
0x86: {  	_ =	shalt  }
0x87: {  	_ =	shalt  }
.Lfunc_end0:
.L_simem_size_0:
called_computation_lowered:
.L_overlay_start_0:
0x88: {  	s2 =	sld [smem:$0x3FD9]  }
0x89: {  	s3 =	sld [smem:$0x3FFE];
	_ =	sdelay $0x1  }
0x8a: {  	s1 =	srdreg.scid  }
0x8b: {  	s0 =	sand.u32 $0x1, s1  }
0x8c: {  	s16 =	sshll.u32 s0, $0xA;
	s2 =	sadd.s32 s3, s2  }
0x8d: {  	s2 =	sadd.s32 s2, s16  }
0x8e: {  	[smem:$0x3FC7] =	sst s2  }
0x8f: {  	_ = 	snop  }
0x90: {  	(tm) =	ssettm $0x1  }
0x91: {  	s17 =	sld [smem:$0x3FFB];
	_ =	sdelay $0x3  }
0x92: {  	_ =	strace s17  }
0x93: {  	s2 =	sld [smem:$0x3FFC];
	_ =	sdelay $0x3  }
0x94: {  	_ =	strace s2  }
0x95: {  	s2 =	sld [smem:$0x3FFD];
	_ =	sdelay $0x3  }
0x96: {  	_ =	strace s2  }
0x97: {  	_ =	strace $0x8FFFFFFF  }
0x98: {  	s18 =	sld [smem:$0x3FDB];
	_ =	sdelay $0x1  }
0x99: {  	s19 =	simm.s32 $_scs_section_size  }
0x9a: {  	s4 =	simm.s32 $_size__tile_overlayer_lowered;
	s5 =	simm.s32 $_tile_overlayer_lowered  }
0x9b: {  	s22 =	simm.s32 $0x1BFF;
	s21 =	sshll.u32 s5, $0x1;
	s2 =	sadd.s32 s19, s18  }
0x9c: {  	s6 =	simm.s32 $0x0;
	s20 =	sshll.u32 s4, $0x1;
	s4 =	sadd.s32 s21, s2  }
0x9d: {  	[timem:s6], [sflag:s22] =	dma.local [hbm:s4], s20  }
0x9e: {  	_ =	swait.ge [sflag:s22], s20  }
0x9f: {  	s3 =	ssub.s32 $0x0, s20;
	[sflag:s22] =	ssyncset.done $0x0  }
0xa0: {  	[sflag:s22] =	ssyncadd.s32 s3;
	_ =	sdelay $0x1  }
0xa1: {  	s23 =	simm.s32 $0x1B8B  }
0xa2: {  	_ =	swait.ge [sflag:s23], $0x1  }
0xa3: {  	[sflag:s23] =	ssyncset.done $0x0  }
0xa4: {  	s25 =	simm.s32 $0x1B8E;
	s24 =	sld [smem:$0x3FFE];
	[sflag:s23] =	ssyncadd.s32 $0xFFFFFFFF  }
0xa5: {  	s26 =	simm.s32 $execute0_lowered;
	[smem:$0x3FD2] =	sst s25  }
0xa6: {  	s4 =	sshll.u32 s26, $0x1;
	_ =	strace $0x80000046;
	[dreg:$0x1] =	wrdreg $0xFFFFFFFF  }
0xa7: {  	s28 =	simm.s32 $_size_execute0_lowered;
	s2 =	sadd.s32 s2, s4;
	[dreg:$0x0] =	wrdreg $0x0  }
0xa8: {  	s4 =	sshll.u32 s28, $0x1;
	[dreg:$0x2] =	wrdreg s2  }
0xa9: {  	[dreg:$0x3] =	wrdreg s4  }
0xaa: {  	[dreg:$0x4] =	wrdreg $0xC0  }
0xab: {  	_ =	task [dreg:s6], $0x5FFFF  }
0xac: {  	[dreg:$0x1] =	wrdreg $0xFFFFFFFF  }
0xad: {  	[dreg:$0x0] =	wrdreg $0x60  }
0xae: {  	[dreg:$0x2] =	wrdreg s24  }
0xaf: {  	[dreg:$0x3] =	wrdreg $0x9  }
0xb0: {  	_ =	task.clear_ibuf [dreg:s6], $0x4FFFF;
	_ =	strace $0x90000046  }
0xb1: {  	s29 =	simm.s32 $0x9;
	_ =	strace $0x80000048  }
0xb2: {  	_ =	swait.ge [sflag:s29], $0x1  }
0xb3: {  	[sflag:s29] =	ssyncadd.s32 $0xFFFFFFFF  }
0xb4: {  	_ =	strace $0x90000048  }
0xb5: {  	_ =	sfence  }
0xb6: {  	s30 =	sld [smem:$0x0];
	_ =	sdelay $0x2  }
0xb7: {  	s31 =	sshll.u32 s1, $0xD;
	s1 =	sshrl.u32 s1, $0x2  }
0xb8: {  	s3 =	sand.u32 $0x4000, s31;
	s1 =	sadd.s32 s1, s30  }
0xb9: {  	s0 =	sor.u32 s3, s0;
	s1 =	sshll.u32 s1, $0x11  }
0xba: {  	s0 =	sor.u32 s1, s0  }
0xbb: {  	s0 =	sadd.s32 $0x8F2B, s0  }
0xbc: {  	[sflag:s0] =	ssyncadd.remote.s32 $0x1  }
0xbd: {  	_ =	sfence.sel $0xFFFF  }
0xbe: {  	[dreg:$0x0] =	wrdreg $0xFFFFFFFF;
	(pc) =	sbr.abs _section_cstart, $3  }
0xbf: {  	[dreg:$0x1] =	wrdreg $0xFFFFFFFF  }
0xc0: {  	_ =	task.clear_ibuf [dreg:s6], $0x2FFFF;
	_ =	strace $0x9FFFFFFF  }
0xc1: {  	(tm) =	ssettm $0x7FFFFFFF  }
tec
execute0_lowered:
.L_overlay_start_1:
0x0: {  	(tag) =	ssettag $0x1  }
0x1: {  	s1 =	rddreg [dreg:$0x0];
	v0 =	vimm.s32 $0xFEDCBA98;
	v1 =	vimm.s32 $0x76543210;
	v2 =	vimm.s32 $0xBA98FEDC  }
0x2: {  	s0 =	srdreg.scid;
	s2 =	stileid.u32;
	s3 =	simm.s32 $0x0;
	v3 =	vimm.s32 $0x32107654;
	v4 =	vimm.s32 $0xDCFE98BA;
	v5 =	vimm.s32 $0x54761032  }
0x3: {  	v6 =	vimm.s32 $0xEFCDAB89;
	s17 =	simm.s32 $0x2780;
	s18 =	simm.s32 $0x4F00;
	s19 =	simm.s32 $0x7680  }
0x4: {  	v7 =	vimm.s32 $0x67452301;
	vm0 =	vcmask $0x328;
	s20 =	simm.s32 $0x1;
	s21 =	simm.s32 $0x2;
	s22 =	simm.s32 $0x3;
	vm1 =	vcmask $0x728  }
0x5: {  	vm2 =	vcmask $0xB28;
	vm3 =	vcmask $0xF28;
	s23 =	simm.s32 $0x4;
	vm4 =	vcmask $0x1328;
	s24 =	simm.s32 $0x9E00;
	s25 =	simm.s32 $0x5  }
0x6: {  	vm5 =	vcmask $0x1728;
	vm6 =	vcmask $0x1B28;
	vm7 =	vcmask $0x1F28;
	s26 =	simm.s32 $0xC580;
	s0 =	sand.u32 $0x1, s0;
	s2 =	sshll.u32 s2, $0x1  }
0x7: {  	vm8 =	vcmask $0x2328;
	s28 =	simm.s32 $0x6;
	s29 =	simm.s32 $0x0;
	v0 =	vunpack.c.l.s4.s8 v0;
	v1 =	vunpack.c.l.s4.s8 v1;
	s2 =	sor.u32 s0, s2  }
0x8: {  	[smem:$0x7FF] =	sst s3;
	v2 =	vunpack.c.l.s4.s8 v2;
	v3 =	vunpack.c.l.s4.s8 v3;
	v4 =	vunpack.c.l.s4.s8 v4;
	s0 =	ssub.s32 $0x2, s0;
	s4 =	smul.u32 $0x186A0, s2  }
0x9: {  	v5 =	vunpack.c.l.s4.s8 v5;
	v6 =	vunpack.c.l.s4.s8 v6;
	v7 =	vunpack.c.l.s4.s8 v7;
	_ =	strace $0x80000047;
	s2 =	sshll.u32 s2, $0x4;
	s6 =	sshrl.u32 s0, $0x1  }
0xa: {  	v0 =	vunpack.c.0.s8.s32 v0;
	v1 =	vunpack.c.0.s8.s32 v1;
	v2 =	vunpack.c.0.s8.s32 v2;
	s2 =	sadd.s32 s2, s1;
	s0 =	ssub.s32 s0, s6;
	s5 =	sshrl.u32 s4, $0x3  }
0xb: {  	v3 =	vunpack.c.0.s8.s32 v3;
	v4 =	vunpack.c.0.s8.s32 v4;
	v5 =	vunpack.c.0.s8.s32 v5;
	s15 =	sadd.s32 $0x61C00, s2;
	s16 =	smax.u32 s0, $0x1;
	s5 =	sadd.s32 s1, s5  }
0xc: {  	v6 =	vunpack.c.0.s8.s32 v6;
	v7 =	vunpack.c.0.s8.s32 v7;
	v0 =	vand.u32 $0xF, v0;
	s6 =	sadd.s32 $0x4E2, s5;
	s7 =	sadd.s32 $0x9C4, s5;
	s8 =	sadd.s32 $0xEA6, s5  }
0xd: {  	vm9 =	vmmov $0x1;
	v0 =	vcombine.low v0, v1;
	v1 =	vcombine.low v3, v2;
	s9 =	sadd.s32 $0x1388, s5;
	s10 =	sadd.s32 $0x186A, s5;
	s11 =	sadd.s32 $0x1D4C, s5  }
0xe: {  	v2 =	vcombine.low v5, v4;
	v3 =	vcombine.low v7, v6;
	v4 =	vlaneseq.u32;
	s12 =	sadd.s32 $0x222E, s5;
	s13 =	sadd.s32 $0x2710, s5;
	s14 =	sadd.s32 $0x2BF2, s5  }
.LBB2_1:
0xf: {  	[tilespmem:s3], [sflag:$0x1] =	stream.linear.gather [hbm4b:s5+s3], $0x2710, $0x38;
	[tilespmem:$0xC600] =	vst v63  }
0x10: {  	_ = 	snop  }
0x11: {  	[tilespmem:s17], [sflag:$0x2] =	stream.linear.gather [hbm4b:s6+s3], $0x2710, $0x38;
	[tilespmem:$0xC600] =	vst v63  }
0x12: {  	_ = 	snop  }
0x13: {  	[tilespmem:s18], [sflag:$0x3] =	stream.linear.gather [hbm4b:s7+s3], $0x2710, $0x38;
	[tilespmem:$0xC600] =	vst v63  }
0x14: {  	_ = 	snop  }
0x15: {  	[tilespmem:s19], [sflag:$0x4] =	stream.linear.gather [hbm4b:s8+s3], $0x2710, $0x38;
	[tilespmem:$0xC600] =	vst v63  }
0x16: {  	_ =	swait.ge [sflag:s20], $0x2710  }
0x17: {  	[sflag:s20] =	ssyncset.done $0x0  }
0x18: {  	s2 =	simm.s32 $0x0;
	[sflag:s20] =	ssyncadd.s32 $0xFFFFD8F0  }
0x19: {  	v5 =	vld [tilespmem:s2+$0x40]  }
0x1a: {  	v7 =	vld [tilespmem:s2+$0x0]  }
0x1b: {  	v8 =	vld [tilespmem:s2+$0x10]  }
0x1c: {  	v6 =	vimm.f32 $-Inf;
	v10 =	vimm.f32 $-Inf;
	v9 =	vld [tilespmem:s2+$0x20]  }
0x1d: {  	s0 =	simm.s32 $0x140;
	v13 =	vimm.f32 $-Inf;
	v14 =	vimm.f32 $-Inf;
	v12 =	vimm.f32 $-Inf;
	v11 =	vld [tilespmem:s2+$0x30]  }
.LBB2_2:
0x1e: {  	s2 =	sshra.s32 s0, $0x2;
	p0 =	sne.s32 s0, $0x9B00;
	s0 =	sadd.s32 $0x140, s0;
	v6 =	vmax.f32 v6, v5  }
.Ltmp0:
0x1f: {  	v5 =	vld [tilespmem:s2+$0x40];
	v10 =	vmax.f32 v10, v7;
	(pc) =	sbr.rel @p0 .LBB2_2-.Ltmp0, $4  }
0x20: {  	v7 =	vld [tilespmem:s2+$0x0];
	v13 =	vmax.f32 v13, v8  }
0x21: {  	v8 =	vld [tilespmem:s2+$0x10];
	v14 =	vmax.f32 v14, v9  }
0x22: {  	v9 =	vld [tilespmem:s2+$0x20];
	v12 =	vmax.f32 v12, v11  }
0x23: {  	v11 =	vld [tilespmem:s2+$0x30]  }
0x24: {  	_ =	sdelay $0x1  }
0x25: {  	v7 =	vmax.f32 v10, v7;
	v8 =	vmax.f32 v13, v8  }
0x26: {  	v9 =	vmax.f32 v14, v9;
	v7 =	vmax.f32 v7, v8  }
0x27: {  	v8 =	vmax.f32 v12, v11;
	v7 =	vmax.f32 v7, v9  }
0x28: {  	v5 =	vmax.f32 v6, v5;
	v6 =	vmax.f32 v7, v8  }
0x29: {  	v5 =	vmax.f32 v6, v5  }
0x2a: {  	s0 =	simm.s32 $0x0;
	v6 =	vperm.xlane v5, v0  }
0x2b: {  	[tilespmem:s0], [sflag:$0x1] =	stream.linear.gather [hbm4b:s9+s0], $0x2710, $0x38;
	[tilespmem:$0xC600] =	vst v63  }
0x2c: {  	_ =	swait.ge [sflag:s21], $0x2710;
	v5 =	vmax.f32 v5, v6  }
0x2d: {  	[sflag:s21] =	ssyncset.done $0x0;
	v6 =	vperm.xlane v5, v1  }
0x2e: {  	s2 =	simm.s32 $0x0;
	[sflag:s21] =	ssyncadd.s32 $0xFFFFD8F0  }
0x2f: {  	v7 =	vld [tilespmem:s2+$0x27C0];
	v5 =	vmax.f32 v5, v6  }
0x30: {  	v9 =	vld [tilespmem:s2+$0x2780];
	v6 =	vperm.xlane v5, v2  }
0x31: {  	v15 =	vimm.f32 $-Inf;
	v10 =	vld [tilespmem:s2+$0x2790]  }
0x32: {  	v16 =	vimm.f32 $-Inf;
	v14 =	vimm.f32 $-Inf;
	v11 =	vld [tilespmem:s2+$0x27A0];
	v5 =	vmax.f32 v5, v6  }
0x33: {  	s0 =	simm.s32 $0x140;
	v12 =	vimm.f32 $-Inf;
	v8 =	vimm.f32 $-Inf;
	v13 =	vld [tilespmem:s2+$0x27B0];
	v6 =	vperm.xlane v5, v3  }
.LBB2_4:
0x34: {  	s2 =	sshra.s32 s0, $0x2;
	p0 =	sne.s32 s0, $0x9B00;
	s0 =	sadd.s32 $0x140, s0;
	v8 =	vmax.f32 v8, v7  }
.Ltmp1:
0x35: {  	v7 =	vld [tilespmem:s2+$0x27C0];
	v12 =	vmax.f32 v12, v9;
	(pc) =	sbr.rel @p0 .LBB2_4-.Ltmp1, $4  }
0x36: {  	v9 =	vld [tilespmem:s2+$0x2780];
	v15 =	vmax.f32 v15, v10  }
0x37: {  	v10 =	vld [tilespmem:s2+$0x2790];
	v16 =	vmax.f32 v16, v11  }
0x38: {  	v11 =	vld [tilespmem:s2+$0x27A0];
	v14 =	vmax.f32 v14, v13  }
0x39: {  	v13 =	vld [tilespmem:s2+$0x27B0]  }
0x3a: {  	_ =	sdelay $0x1  }
0x3b: {  	v9 =	vmax.f32 v12, v9;
	v10 =	vmax.f32 v15, v10  }
0x3c: {  	v11 =	vmax.f32 v16, v11;
	v9 =	vmax.f32 v9, v10  }
0x3d: {  	v10 =	vmax.f32 v14, v13;
	v9 =	vmax.f32 v9, v11  }
0x3e: {  	v7 =	vmax.f32 v8, v7;
	v8 =	vmax.f32 v9, v10  }
0x3f: {  	v7 =	vmax.f32 v8, v7  }
0x40: {  	s0 =	simm.s32 $0x0;
	v8 =	vperm.xlane v7, v0  }
0x41: {  	[tilespmem:s17], [sflag:$0x2] =	stream.linear.gather [hbm4b:s10+s0], $0x2710, $0x38;
	[tilespmem:$0xC600] =	vst v63  }
0x42: {  	_ =	swait.ge [sflag:s22], $0x2710;
	v7 =	vmax.f32 v7, v8  }
0x43: {  	[sflag:s22] =	ssyncset.done $0x0;
	v8 =	vperm.xlane v7, v1  }
0x44: {  	s2 =	simm.s32 $0x0;
	[sflag:s22] =	ssyncadd.s32 $0xFFFFD8F0  }
0x45: {  	v9 =	vld [tilespmem:s2+$0x4F40];
	v7 =	vmax.f32 v7, v8  }
0x46: {  	v11 =	vld [tilespmem:s2+$0x4F00];
	v8 =	vperm.xlane v7, v2  }
0x47: {  	v17 =	vimm.f32 $-Inf;
	v12 =	vld [tilespmem:s2+$0x4F10]  }
0x48: {  	v18 =	vimm.f32 $-Inf;
	v16 =	vimm.f32 $-Inf;
	v13 =	vld [tilespmem:s2+$0x4F20];
	v7 =	vmax.f32 v7, v8  }
0x49: {  	s0 =	simm.s32 $0x140;
	v14 =	vimm.f32 $-Inf;
	v10 =	vimm.f32 $-Inf;
	v15 =	vld [tilespmem:s2+$0x4F30];
	v8 =	vperm.xlane v7, v3  }
.LBB2_6:
0x4a: {  	s2 =	sshra.s32 s0, $0x2;
	p0 =	sne.s32 s0, $0x9B00;
	s0 =	sadd.s32 $0x140, s0;
	v10 =	vmax.f32 v10, v9  }
.Ltmp2:
0x4b: {  	v9 =	vld [tilespmem:s2+$0x4F40];
	v14 =	vmax.f32 v14, v11;
	(pc) =	sbr.rel @p0 .LBB2_6-.Ltmp2, $4  }
0x4c: {  	v11 =	vld [tilespmem:s2+$0x4F00];
	v17 =	vmax.f32 v17, v12  }
0x4d: {  	v12 =	vld [tilespmem:s2+$0x4F10];
	v18 =	vmax.f32 v18, v13  }
0x4e: {  	v13 =	vld [tilespmem:s2+$0x4F20];
	v16 =	vmax.f32 v16, v15  }
0x4f: {  	v15 =	vld [tilespmem:s2+$0x4F30]  }
0x50: {  	_ =	sdelay $0x1  }
0x51: {  	v11 =	vmax.f32 v14, v11;
	v12 =	vmax.f32 v17, v12  }
0x52: {  	v13 =	vmax.f32 v18, v13;
	v11 =	vmax.f32 v11, v12  }
0x53: {  	v12 =	vmax.f32 v16, v15;
	v11 =	vmax.f32 v11, v13  }
0x54: {  	v9 =	vmax.f32 v10, v9;
	v10 =	vmax.f32 v11, v12  }
0x55: {  	v9 =	vmax.f32 v10, v9  }
0x56: {  	s0 =	simm.s32 $0x0;
	v10 =	vperm.xlane v9, v0  }
0x57: {  	[tilespmem:s18], [sflag:$0x3] =	stream.linear.gather [hbm4b:s11+s0], $0x2710, $0x38;
	[tilespmem:$0xC600] =	vst v63  }
0x58: {  	_ =	swait.ge [sflag:s23], $0x2710;
	v9 =	vmax.f32 v9, v10  }
0x59: {  	[sflag:s23] =	ssyncset.done $0x0;
	v10 =	vperm.xlane v9, v1  }
0x5a: {  	s2 =	simm.s32 $0x0;
	[sflag:s23] =	ssyncadd.s32 $0xFFFFD8F0  }
0x5b: {  	v11 =	vld [tilespmem:s2+$0x76C0];
	v9 =	vmax.f32 v9, v10  }
0x5c: {  	v13 =	vld [tilespmem:s2+$0x7680];
	v10 =	vperm.xlane v9, v2  }
0x5d: {  	v19 =	vimm.f32 $-Inf;
	v14 =	vld [tilespmem:s2+$0x7690]  }
0x5e: {  	v20 =	vimm.f32 $-Inf;
	v18 =	vimm.f32 $-Inf;
	v15 =	vld [tilespmem:s2+$0x76A0];
	v9 =	vmax.f32 v9, v10  }
0x5f: {  	s0 =	simm.s32 $0x140;
	v16 =	vimm.f32 $-Inf;
	v12 =	vimm.f32 $-Inf;
	v17 =	vld [tilespmem:s2+$0x76B0];
	v10 =	vperm.xlane v9, v3  }
.LBB2_8:
0x60: {  	s2 =	sshra.s32 s0, $0x2;
	p0 =	sne.s32 s0, $0x9B00;
	s0 =	sadd.s32 $0x140, s0;
	v12 =	vmax.f32 v12, v11  }
.Ltmp3:
0x61: {  	v11 =	vld [tilespmem:s2+$0x76C0];
	v16 =	vmax.f32 v16, v13;
	(pc) =	sbr.rel @p0 .LBB2_8-.Ltmp3, $4  }
0x62: {  	v13 =	vld [tilespmem:s2+$0x7680];
	v19 =	vmax.f32 v19, v14  }
0x63: {  	v14 =	vld [tilespmem:s2+$0x7690];
	v20 =	vmax.f32 v20, v15  }
0x64: {  	v15 =	vld [tilespmem:s2+$0x76A0];
	v18 =	vmax.f32 v18, v17  }
0x65: {  	v17 =	vld [tilespmem:s2+$0x76B0]  }
0x66: {  	_ =	sdelay $0x1  }
0x67: {  	v13 =	vmax.f32 v16, v13;
	v14 =	vmax.f32 v19, v14  }
0x68: {  	v15 =	vmax.f32 v20, v15;
	v13 =	vmax.f32 v13, v14  }
0x69: {  	v14 =	vmax.f32 v18, v17;
	v13 =	vmax.f32 v13, v15  }
0x6a: {  	v11 =	vmax.f32 v12, v11;
	v12 =	vmax.f32 v13, v14  }
0x6b: {  	v11 =	vmax.f32 v12, v11  }
0x6c: {  	s0 =	simm.s32 $0x0;
	v12 =	vperm.xlane v11, v0  }
0x6d: {  	[tilespmem:s19], [sflag:$0x4] =	stream.linear.gather [hbm4b:s12+s0], $0x2710, $0x38;
	[tilespmem:$0xC600] =	vst v63  }
0x6e: {  	_ =	swait.ge [sflag:s20], $0x2710;
	v11 =	vmax.f32 v11, v12  }
0x6f: {  	[sflag:s20] =	ssyncset.done $0x0;
	v12 =	vperm.xlane v11, v1  }
0x70: {  	s2 =	simm.s32 $0x0;
	[sflag:s20] =	ssyncadd.s32 $0xFFFFD8F0  }
0x71: {  	v13 =	vld [tilespmem:s2+$0x40];
	v11 =	vmax.f32 v11, v12  }
0x72: {  	v15 =	vld [tilespmem:s2+$0x0];
	v12 =	vperm.xlane v11, v2  }
0x73: {  	v21 =	vimm.f32 $-Inf;
	v16 =	vld [tilespmem:s2+$0x10]  }
0x74: {  	v22 =	vimm.f32 $-Inf;
	v20 =	vimm.f32 $-Inf;
	v17 =	vld [tilespmem:s2+$0x20];
	v11 =	vmax.f32 v11, v12  }
0x75: {  	s0 =	simm.s32 $0x140;
	v18 =	vimm.f32 $-Inf;
	v14 =	vimm.f32 $-Inf;
	v19 =	vld [tilespmem:s2+$0x30];
	v12 =	vperm.xlane v11, v3  }
.LBB2_10:
0x76: {  	s2 =	sshra.s32 s0, $0x2;
	p0 =	sne.s32 s0, $0x9B00;
	s0 =	sadd.s32 $0x140, s0;
	v14 =	vmax.f32 v14, v13  }
.Ltmp4:
0x77: {  	v13 =	vld [tilespmem:s2+$0x40];
	v18 =	vmax.f32 v18, v15;
	(pc) =	sbr.rel @p0 .LBB2_10-.Ltmp4, $4  }
0x78: {  	v15 =	vld [tilespmem:s2+$0x0];
	v21 =	vmax.f32 v21, v16  }
0x79: {  	v16 =	vld [tilespmem:s2+$0x10];
	v22 =	vmax.f32 v22, v17  }
0x7a: {  	v17 =	vld [tilespmem:s2+$0x20];
	v20 =	vmax.f32 v20, v19  }
0x7b: {  	v19 =	vld [tilespmem:s2+$0x30]  }
0x7c: {  	_ =	sdelay $0x1  }
0x7d: {  	v15 =	vmax.f32 v18, v15;
	v16 =	vmax.f32 v21, v16  }
0x7e: {  	v17 =	vmax.f32 v22, v17;
	v15 =	vmax.f32 v15, v16  }
0x7f: {  	v16 =	vmax.f32 v20, v19;
	v15 =	vmax.f32 v15, v17  }
0x80: {  	v13 =	vmax.f32 v14, v13;
	v14 =	vmax.f32 v15, v16  }
0x81: {  	v13 =	vmax.f32 v14, v13  }
0x82: {  	s0 =	simm.s32 $0x0;
	v14 =	vperm.xlane v13, v0  }
0x83: {  	[tilespmem:s0], [sflag:$0x1] =	stream.linear.gather [hbm4b:s13+s0], $0x2710, $0x38;
	[tilespmem:$0xC600] =	vst v63  }
0x84: {  	_ =	swait.ge [sflag:s21], $0x2710;
	v13 =	vmax.f32 v13, v14  }
0x85: {  	[sflag:s21] =	ssyncset.done $0x0;
	v14 =	vperm.xlane v13, v1  }
0x86: {  	s2 =	simm.s32 $0x0;
	[sflag:s21] =	ssyncadd.s32 $0xFFFFD8F0  }
0x87: {  	v15 =	vld [tilespmem:s2+$0x27C0];
	v13 =	vmax.f32 v13, v14  }
0x88: {  	v17 =	vld [tilespmem:s2+$0x2780];
	v14 =	vperm.xlane v13, v2  }
0x89: {  	v23 =	vimm.f32 $-Inf;
	v18 =	vld [tilespmem:s2+$0x2790]  }
0x8a: {  	v24 =	vimm.f32 $-Inf;
	v22 =	vimm.f32 $-Inf;
	v19 =	vld [tilespmem:s2+$0x27A0];
	v13 =	vmax.f32 v13, v14  }
0x8b: {  	s0 =	simm.s32 $0x140;
	v20 =	vimm.f32 $-Inf;
	v16 =	vimm.f32 $-Inf;
	v21 =	vld [tilespmem:s2+$0x27B0];
	v14 =	vperm.xlane v13, v3  }
.LBB2_12:
0x8c: {  	s2 =	sshra.s32 s0, $0x2;
	p0 =	sne.s32 s0, $0x9B00;
	s0 =	sadd.s32 $0x140, s0;
	v16 =	vmax.f32 v16, v15  }
.Ltmp5:
0x8d: {  	v15 =	vld [tilespmem:s2+$0x27C0];
	v20 =	vmax.f32 v20, v17;
	(pc) =	sbr.rel @p0 .LBB2_12-.Ltmp5, $4  }
0x8e: {  	v17 =	vld [tilespmem:s2+$0x2780];
	v23 =	vmax.f32 v23, v18  }
0x8f: {  	v18 =	vld [tilespmem:s2+$0x2790];
	v24 =	vmax.f32 v24, v19  }
0x90: {  	v19 =	vld [tilespmem:s2+$0x27A0];
	v22 =	vmax.f32 v22, v21  }
0x91: {  	v21 =	vld [tilespmem:s2+$0x27B0]  }
0x92: {  	_ =	sdelay $0x1  }
0x93: {  	v17 =	vmax.f32 v20, v17;
	v18 =	vmax.f32 v23, v18  }
0x94: {  	v19 =	vmax.f32 v24, v19;
	v17 =	vmax.f32 v17, v18  }
0x95: {  	v18 =	vmax.f32 v22, v21;
	v17 =	vmax.f32 v17, v19  }
0x96: {  	v15 =	vmax.f32 v16, v15;
	v16 =	vmax.f32 v17, v18  }
0x97: {  	v15 =	vmax.f32 v16, v15  }
0x98: {  	s0 =	simm.s32 $0x0;
	v16 =	vperm.xlane v15, v0  }
0x99: {  	[tilespmem:s17], [sflag:$0x2] =	stream.linear.gather [hbm4b:s14+s0], $0x2710, $0x38;
	[tilespmem:$0xC600] =	vst v63  }
0x9a: {  	_ =	swait.ge [sflag:s22], $0x2710;
	v15 =	vmax.f32 v15, v16  }
0x9b: {  	[sflag:s22] =	ssyncset.done $0x0;
	v16 =	vperm.xlane v15, v1  }
0x9c: {  	s2 =	simm.s32 $0x0;
	[sflag:s22] =	ssyncadd.s32 $0xFFFFD8F0  }
0x9d: {  	v17 =	vld [tilespmem:s2+$0x4F40];
	v15 =	vmax.f32 v15, v16  }
0x9e: {  	v19 =	vld [tilespmem:s2+$0x4F00];
	v16 =	vperm.xlane v15, v2  }
0x9f: {  	v25 =	vimm.f32 $-Inf;
	v20 =	vld [tilespmem:s2+$0x4F10]  }
0xa0: {  	v26 =	vimm.f32 $-Inf;
	v24 =	vimm.f32 $-Inf;
	v21 =	vld [tilespmem:s2+$0x4F20];
	v15 =	vmax.f32 v15, v16  }
0xa1: {  	s0 =	simm.s32 $0x140;
	v22 =	vimm.f32 $-Inf;
	v18 =	vimm.f32 $-Inf;
	v23 =	vld [tilespmem:s2+$0x4F30];
	v16 =	vperm.xlane v15, v3  }
.LBB2_14:
0xa2: {  	s2 =	sshra.s32 s0, $0x2;
	p0 =	sne.s32 s0, $0x9B00;
	s0 =	sadd.s32 $0x140, s0;
	v18 =	vmax.f32 v18, v17  }
.Ltmp6:
0xa3: {  	v17 =	vld [tilespmem:s2+$0x4F40];
	v22 =	vmax.f32 v22, v19;
	(pc) =	sbr.rel @p0 .LBB2_14-.Ltmp6, $4  }
0xa4: {  	v19 =	vld [tilespmem:s2+$0x4F00];
	v25 =	vmax.f32 v25, v20  }
0xa5: {  	v20 =	vld [tilespmem:s2+$0x4F10];
	v26 =	vmax.f32 v26, v21  }
0xa6: {  	v21 =	vld [tilespmem:s2+$0x4F20];
	v24 =	vmax.f32 v24, v23  }
0xa7: {  	v23 =	vld [tilespmem:s2+$0x4F30]  }
0xa8: {  	_ =	sdelay $0x1  }
0xa9: {  	v19 =	vmax.f32 v22, v19;
	v20 =	vmax.f32 v25, v20  }
0xaa: {  	v21 =	vmax.f32 v26, v21;
	v19 =	vmax.f32 v19, v20  }
0xab: {  	v20 =	vmax.f32 v24, v23;
	v19 =	vmax.f32 v19, v21  }
0xac: {  	v17 =	vmax.f32 v18, v17;
	v18 =	vmax.f32 v19, v20  }
0xad: {  	v17 =	vmax.f32 v18, v17  }
0xae: {  	v18 =	vperm.xlane v17, v0;
	_ =	sdelay $0x1  }
0xaf: {  	_ =	swait.ge [sflag:s23], $0x2710;
	v17 =	vmax.f32 v17, v18  }
0xb0: {  	[sflag:s23] =	ssyncset.done $0x0;
	v18 =	vperm.xlane v17, v1  }
0xb1: {  	s2 =	simm.s32 $0x0;
	[sflag:s23] =	ssyncadd.s32 $0xFFFFD8F0  }
0xb2: {  	v19 =	vld [tilespmem:s2+$0x76C0];
	v17 =	vmax.f32 v17, v18  }
0xb3: {  	v21 =	vld [tilespmem:s2+$0x7680];
	v18 =	vperm.xlane v17, v2  }
0xb4: {  	v27 =	vimm.f32 $-Inf;
	v22 =	vld [tilespmem:s2+$0x7690]  }
0xb5: {  	v28 =	vimm.f32 $-Inf;
	v26 =	vimm.f32 $-Inf;
	v23 =	vld [tilespmem:s2+$0x76A0];
	v17 =	vmax.f32 v17, v18  }
0xb6: {  	s0 =	simm.s32 $0x140;
	v25 =	vld [tilespmem:s2+$0x76B0];
	v24 =	vimm.f32 $-Inf;
	v20 =	vimm.f32 $-Inf;
	v18 =	vperm.xlane v17, v3  }
.LBB2_16:
0xb7: {  	s2 =	sshra.s32 s0, $0x2;
	p0 =	sne.s32 s0, $0x9B00;
	s0 =	sadd.s32 $0x140, s0;
	v20 =	vmax.f32 v20, v19  }
.Ltmp7:
0xb8: {  	v19 =	vld [tilespmem:s2+$0x76C0];
	v24 =	vmax.f32 v24, v21;
	(pc) =	sbr.rel @p0 .LBB2_16-.Ltmp7, $4  }
0xb9: {  	v21 =	vld [tilespmem:s2+$0x7680];
	v27 =	vmax.f32 v27, v22  }
0xba: {  	v22 =	vld [tilespmem:s2+$0x7690];
	v28 =	vmax.f32 v28, v23  }
0xbb: {  	v23 =	vld [tilespmem:s2+$0x76A0];
	v26 =	vmax.f32 v26, v25  }
0xbc: {  	v25 =	vld [tilespmem:s2+$0x76B0]  }
0xbd: {  	_ =	sdelay $0x1  }
0xbe: {  	v21 =	vmax.f32 v24, v21;
	v22 =	vmax.f32 v27, v22  }
0xbf: {  	v23 =	vmax.f32 v28, v23;
	v21 =	vmax.f32 v21, v22  }
0xc0: {  	v22 =	vmax.f32 v26, v25;
	v21 =	vmax.f32 v21, v23  }
0xc1: {  	v19 =	vmax.f32 v20, v19;
	v20 =	vmax.f32 v21, v22  }
0xc2: {  	v19 =	vmax.f32 v20, v19  }
0xc3: {  	v20 =	vperm.xlane v19, v0;
	_ =	sdelay $0x1  }
0xc4: {  	_ =	swait.ge [sflag:s20], $0x2710;
	v19 =	vmax.f32 v19, v20  }
0xc5: {  	[sflag:s20] =	ssyncset.done $0x0;
	v20 =	vperm.xlane v19, v1  }
0xc6: {  	s2 =	simm.s32 $0x0;
	[sflag:s20] =	ssyncadd.s32 $0xFFFFD8F0  }
0xc7: {  	v21 =	vld [tilespmem:s2+$0x40];
	v19 =	vmax.f32 v19, v20  }
0xc8: {  	v23 =	vld [tilespmem:s2+$0x0];
	v20 =	vperm.xlane v19, v2  }
0xc9: {  	v29 =	vimm.f32 $-Inf;
	v24 =	vld [tilespmem:s2+$0x10]  }
0xca: {  	v30 =	vimm.f32 $-Inf;
	v28 =	vimm.f32 $-Inf;
	v25 =	vld [tilespmem:s2+$0x20];
	v19 =	vmax.f32 v19, v20  }
0xcb: {  	s0 =	simm.s32 $0x140;
	v27 =	vld [tilespmem:s2+$0x30];
	v26 =	vimm.f32 $-Inf;
	v22 =	vimm.f32 $-Inf;
	v20 =	vperm.xlane v19, v3  }
.LBB2_18:
0xcc: {  	s2 =	sshra.s32 s0, $0x2;
	p0 =	sne.s32 s0, $0x9B00;
	s0 =	sadd.s32 $0x140, s0;
	v22 =	vmax.f32 v22, v21  }
.Ltmp8:
0xcd: {  	v21 =	vld [tilespmem:s2+$0x40];
	v26 =	vmax.f32 v26, v23;
	(pc) =	sbr.rel @p0 .LBB2_18-.Ltmp8, $4  }
0xce: {  	v23 =	vld [tilespmem:s2+$0x0];
	v29 =	vmax.f32 v29, v24  }
0xcf: {  	v24 =	vld [tilespmem:s2+$0x10];
	v30 =	vmax.f32 v30, v25  }
0xd0: {  	v25 =	vld [tilespmem:s2+$0x20];
	v28 =	vmax.f32 v28, v27  }
0xd1: {  	v27 =	vld [tilespmem:s2+$0x30]  }
0xd2: {  	_ =	sdelay $0x1  }
0xd3: {  	v23 =	vmax.f32 v26, v23;
	v24 =	vmax.f32 v29, v24  }
0xd4: {  	v25 =	vmax.f32 v30, v25;
	v23 =	vmax.f32 v23, v24  }
0xd5: {  	v24 =	vmax.f32 v28, v27;
	v23 =	vmax.f32 v23, v25  }
0xd6: {  	v21 =	vmax.f32 v22, v21;
	v22 =	vmax.f32 v23, v24  }
0xd7: {  	v21 =	vmax.f32 v22, v21  }
0xd8: {  	v22 =	vperm.xlane v21, v0;
	_ =	sdelay $0x1  }
0xd9: {  	_ =	swait.ge [sflag:s21], $0x2710;
	v21 =	vmax.f32 v21, v22  }
0xda: {  	[sflag:s21] =	ssyncset.done $0x0;
	v22 =	vperm.xlane v21, v1  }
0xdb: {  	s2 =	simm.s32 $0x0;
	[sflag:s21] =	ssyncadd.s32 $0xFFFFD8F0  }
0xdc: {  	v23 =	vld [tilespmem:s2+$0x27C0];
	v21 =	vmax.f32 v21, v22  }
0xdd: {  	v25 =	vld [tilespmem:s2+$0x2780];
	v22 =	vperm.xlane v21, v2  }
0xde: {  	v31 =	vimm.f32 $-Inf;
	v26 =	vld [tilespmem:s2+$0x2790]  }
0xdf: {  	v32 =	vimm.f32 $-Inf;
	v30 =	vimm.f32 $-Inf;
	v27 =	vld [tilespmem:s2+$0x27A0];
	v21 =	vmax.f32 v21, v22  }
0xe0: {  	s0 =	simm.s32 $0x140;
	v29 =	vld [tilespmem:s2+$0x27B0];
	v28 =	vimm.f32 $-Inf;
	v24 =	vimm.f32 $-Inf;
	v22 =	vperm.xlane v21, v3  }
.LBB2_20:
0xe1: {  	s2 =	sshra.s32 s0, $0x2;
	p0 =	sne.s32 s0, $0x9B00;
	s0 =	sadd.s32 $0x140, s0;
	v24 =	vmax.f32 v24, v23  }
.Ltmp9:
0xe2: {  	v23 =	vld [tilespmem:s2+$0x27C0];
	v28 =	vmax.f32 v28, v25;
	(pc) =	sbr.rel @p0 .LBB2_20-.Ltmp9, $4  }
0xe3: {  	v25 =	vld [tilespmem:s2+$0x2780];
	v31 =	vmax.f32 v31, v26  }
0xe4: {  	v26 =	vld [tilespmem:s2+$0x2790];
	v32 =	vmax.f32 v32, v27  }
0xe5: {  	v27 =	vld [tilespmem:s2+$0x27A0];
	v30 =	vmax.f32 v30, v29  }
0xe6: {  	v29 =	vld [tilespmem:s2+$0x27B0]  }
0xe7: {  	_ =	sdelay $0x1  }
0xe8: {  	v25 =	vmax.f32 v28, v25;
	v26 =	vmax.f32 v31, v26  }
0xe9: {  	v27 =	vmax.f32 v32, v27;
	v25 =	vmax.f32 v25, v26  }
0xea: {  	v62 =	vmax.f32 v30, v29;
	v25 =	vmax.f32 v25, v27  }
0xeb: {  	v23 =	vmax.f32 v24, v23;
	v63 =	vmax.f32 v25, v62  }
0xec: {  	v5 =	vmax.f32 v5, v6;
	v6 =	vmax.f32 v63, v23  }
0xed: {  	v7 =	vmax.f32 v7, v8;
	v8 =	vperm.xlane v6, v0  }
0xee: {  	v9 =	vmax.f32 v9, v10;
	v5 =	vnsel vm9, $0xFF800000, v5  }
0xef: {  	v5 =	vsel vm0, v5, v7;
	v7 =	vand.u32 $0xF, v1;
	v6 =	vmax.f32 v6, v8  }
0xf0: {  	v5 =	vsel vm1, v5, v9;
	v9 =	vperm.xlane v6, v7;
	_ =	sdelay $0x1  }
0xf1: {  	v8 =	vmax.f32 v11, v12;
	v9 =	vmax.f32 v6, v9;
	v6 =	vand.u32 $0xF, v2  }
0xf2: {  	v5 =	vsel vm2, v5, v8;
	v8 =	vmax.f32 v13, v14;
	v10 =	vperm.xlane v9, v6  }
0xf3: {  	v11 =	vmax.f32 v17, v18;
	v5 =	vsel vm3, v5, v8;
	v8 =	vmax.f32 v15, v16  }
0xf4: {  	v8 =	vsel vm4, v5, v8;
	v5 =	vand.u32 $0xF, v3;
	v9 =	vmax.f32 v9, v10  }
0xf5: {  	v8 =	vsel vm5, v8, v11;
	v10 =	vmax.f32 v19, v20;
	v11 =	vperm.xlane v9, v5  }
0xf6: {  	v8 =	vsel vm6, v8, v10;
	v10 =	vmax.f32 v21, v22  }
0xf7: {  	v8 =	vsel vm7, v8, v10;
	v9 =	vmax.f32 v9, v11  }
0xf8: {  	v8 =	vsel vm8, v8, v9  }
0xf9: {  	v10 =	vperm.xlane v4, v0;
	v9 =	vperm.xlane v8, v0;
	_ =	sdelay $0x1  }
0xfa: {  	vm11 =	vlt.s32 v10, v4;
	vm10 =	veq.f32 v9, v8  }
0xfb: {  	vm12 =	vgt.f32 v9, v8;
	vm10 =	vmand vm10, vm11  }
0xfc: {  	vm10 =	vmor vm12, vm10  }
0xfd: {  	v8 =	vsel vm10, v9, v8;
	v9 =	vsel vm10, v10, v4  }
0xfe: {  	v10 =	vperm.xlane v8, v7;
	v11 =	vperm.xlane v9, v7;
	_ =	sdelay $0x1  }
0xff: {  	vm10 =	veq.f32 v10, v8;
	vm11 =	vlt.s32 v11, v9  }
0x100: {  	vm12 =	vgt.f32 v10, v8;
	vm10 =	vmand vm10, vm11  }
0x101: {  	vm10 =	vmor vm12, vm10  }
0x102: {  	v8 =	vsel vm10, v10, v8;
	v9 =	vsel vm10, v11, v9  }
0x103: {  	v10 =	vperm.xlane v8, v6;
	v11 =	vperm.xlane v9, v6;
	_ =	sdelay $0x1  }
0x104: {  	vm10 =	veq.f32 v10, v8;
	vm11 =	vlt.s32 v11, v9  }
0x105: {  	vm12 =	vgt.f32 v10, v8;
	vm10 =	vmand vm10, vm11  }
0x106: {  	vm10 =	vmor vm12, vm10  }
0x107: {  	v8 =	vsel vm10, v10, v8;
	v9 =	vsel vm10, v11, v9  }
0x108: {  	v10 =	vperm.xlane v8, v5;
	v11 =	vperm.xlane v9, v5;
	_ =	sdelay $0x1  }
0x109: {  	vm10 =	veq.f32 v10, v8;
	vm11 =	vlt.s32 v11, v9  }
0x10a: {  	vm12 =	vgt.f32 v10, v8;
	vm10 =	vmand vm10, vm11  }
0x10b: {  	vm10 =	vmor vm12, vm10  }
0x10c: {  	v8 =	vsel vm10, v11, v9  }
0x10d: {  	(v2sf) =	vpush v8, $0x0;
	_ =	sdelay $0xe  }
0x10e: {  	s0 =	spop (v2sf)  }
0x10f: {  	s0 =	smul.u32 $0x2710, s0;
	_ =	sdelay $0x1  }
0x110: {  	s0 =	sadd.s32 s4, s0  }
0x111: {  	s0 =	sshrl.u32 s0, $0x3  }
0x112: {  	s31 =	simm.s32 $0x0;
	s0 =	sadd.s32 s1, s0  }
0x113: {  	[tilespmem:s24], [sflag:$0x5] =	stream.linear.gather [hbm4b:s0+s31], $0x2710, $0x38;
	[tilespmem:$0xC600] =	vst v63  }
0x114: {  	_ =	swait.ge [sflag:s25], $0x2710  }
0x115: {  	[sflag:s25] =	ssyncset.done $0x0  }
0x116: {  	s2 =	simm.s32 $0x9E20;
	[sflag:s25] =	ssyncadd.s32 $0xFFFFD8F0  }
0x117: {  	v9 =	vld [tilespmem:s2+$0xFFFFFFE0]  }
0x118: {  	v10 =	vld [tilespmem:s2+$0xFFFFFFF0]  }
0x119: {  	v12 =	vld [tilespmem:s2+$0x0]  }
0x11a: {  	v13 =	vld [tilespmem:s2+$0x10]  }
0x11b: {  	v21 =	vld [tilespmem:s2+$0x20]  }
0x11c: {  	s2 =	simm.s32 $0x9E70  }
0x11d: {  	v22 =	vimm.f32 $-Inf;
	v23 =	vld [tilespmem:s2+$0xFFFFFFE0]  }
0x11e: {  	v15 =	vimm.s32 $0x0;
	v18 =	vld [tilespmem:s2+$0xFFFFFFF0];
	vm10 =	vgt.f32 v9, v22;
	vm11 =	vgt.f32 v10, v22  }
0x11f: {  	v14 =	vld [tilespmem:s2+$0x0];
	vm12 =	vgt.f32 v12, v22;
	vm13 =	vgt.f32 v13, v22;
	v19 =	vsel vm10, v9, v22  }
0x120: {  	v11 =	vld [tilespmem:s2+$0x10];
	v20 =	vsel vm10, s31, v15;
	v16 =	vsel vm11, v10, v22;
	vm10 =	vgt.f32 v21, v22  }
0x121: {  	v17 =	vsel vm12, v12, v22;
	v12 =	vsel vm13, v13, v22;
	v10 =	vld [tilespmem:s2+$0x20];
	v13 =	vsel vm13, s31, v15  }
0x122: {  	s30 =	simm.s32 $0x50;
	s0 =	simm.s32 $0xA0;
	s2 =	simm.s32 $0x9EC0;
	v9 =	vsel vm10, v21, v22;
	v22 =	vsel vm11, s31, v15;
	v21 =	vsel vm12, s31, v15  }
.LBB2_22:
0x123: {  	v24 =	vld [tilespmem:s2+$0xFFFFFFE0];
	v15 =	vsel vm10, s31, v15;
	v25 =	vmov v18;
	s31 =	smov.u32 s30;
	s30 =	smov.u32 s0;
	p0 =	sne.s32 s0, $0x26C0  }
.Ltmp10:
0x124: {  	vm10 =	vgt.f32 v23, v19;
	v18 =	vld [tilespmem:s2+$0xFFFFFFF0];
	vm11 =	vgt.f32 v25, v16;
	v26 =	vmov v14;
	(pc) =	sbr.rel @p0 .LBB2_22-.Ltmp10, $4  }
0x125: {  	v19 =	vsel vm10, v23, v19;
	v20 =	vsel vm10, s31, v20;
	v14 =	vld [tilespmem:s2+$0x0];
	v16 =	vsel vm11, v25, v16;
	v23 =	vmovc v11  }
0x126: {  	vm12 =	vgt.f32 v26, v17;
	v11 =	vld [tilespmem:s2+$0x10];
	vm13 =	vgt.f32 v23, v12;
	vm10 =	vgt.f32 v10, v9  }
0x127: {  	s0 =	sadd.s32 $0x50, s0;
	v17 =	vsel vm12, v26, v17;
	v12 =	vsel vm13, v23, v12;
	v9 =	vsel vm10, v10, v9;
	v10 =	vld [tilespmem:s2+$0x20]  }
0x128: {  	v22 =	vsel vm11, s31, v22;
	v21 =	vsel vm12, s31, v21;
	s2 =	sadd.s32 $0x50, s2;
	v13 =	vsel vm13, s31, v13;
	v23 =	vmovc v24  }
0x129: {  	vm11 =	vgt.f32 v23, v19  }
0x12a: {  	v15 =	vsel vm10, s31, v15;
	vm10 =	vgt.f32 v18, v16;
	v53 =	vor.u32 $0x10, v4  }
0x12b: {  	v19 =	vsel vm11, v23, v19;
	v20 =	vsel vm11, s30, v20;
	v22 =	vsel vm10, s30, v22  }
0x12c: {  	v16 =	vsel vm10, v18, v16;
	v54 =	vadd.s32 v4, v20;
	v55 =	vadd.s32 v53, v22  }
0x12d: {  	v57 =	vor.u32 $0x20, v4;
	vm11 =	veq.f32 v16, v19;
	vm12 =	vlt.s32 v55, v54  }
0x12e: {  	vm10 =	vgt.f32 v14, v17;
	vm13 =	vgt.f32 v16, v19;
	vm11 =	vmand vm11, vm12  }
0x12f: {  	v14 =	vsel vm10, v14, v17;
	v56 =	vsel vm10, s30, v21;
	vm10 =	vmor vm13, vm11  }
0x130: {  	v17 =	vadd.s32 v57, v56;
	v16 =	vsel vm10, v16, v19;
	v18 =	vsel vm10, v55, v54  }
0x131: {  	v59 =	vor.u32 $0x30, v4;
	vm11 =	veq.f32 v14, v16;
	vm12 =	vlt.s32 v17, v18  }
0x132: {  	vm10 =	vgt.f32 v11, v12;
	vm13 =	vgt.f32 v14, v16;
	vm11 =	vmand vm11, vm12  }
0x133: {  	v11 =	vsel vm10, v11, v12;
	v58 =	vsel vm10, s30, v13;
	vm10 =	vmor vm13, vm11  }
0x134: {  	v12 =	vadd.s32 v59, v58;
	v14 =	vsel vm10, v14, v16;
	v60 =	vsel vm10, v17, v18  }
0x135: {  	v62 =	vor.u32 $0x40, v4;
	vm11 =	veq.f32 v11, v14;
	vm12 =	vlt.s32 v12, v60  }
0x136: {  	vm10 =	vgt.f32 v10, v9;
	vm13 =	vgt.f32 v11, v14;
	vm11 =	vmand vm11, vm12  }
0x137: {  	v9 =	vsel vm10, v10, v9;
	v61 =	vsel vm10, s30, v15;
	vm10 =	vmor vm13, vm11  }
0x138: {  	v10 =	vadd.s32 v62, v61;
	v11 =	vsel vm10, v11, v14;
	v12 =	vsel vm10, v12, v60  }
0x139: {  	vm10 =	veq.f32 v9, v11;
	vm11 =	vlt.s32 v10, v12  }
0x13a: {  	vm12 =	vgt.f32 v9, v11;
	vm10 =	vmand vm10, vm11  }
0x13b: {  	vm10 =	vmor vm12, vm10  }
0x13c: {  	v9 =	vsel vm10, v9, v11;
	v10 =	vsel vm10, v10, v12  }
0x13d: {  	v11 =	vperm.xlane v9, v0;
	v12 =	vperm.xlane v10, v0;
	_ =	sdelay $0x1  }
0x13e: {  	vm10 =	veq.f32 v11, v9;
	vm11 =	vlt.s32 v12, v10  }
0x13f: {  	vm12 =	vgt.f32 v11, v9;
	vm10 =	vmand vm10, vm11  }
0x140: {  	vm10 =	vmor vm12, vm10  }
0x141: {  	v9 =	vsel vm10, v11, v9;
	v10 =	vsel vm10, v12, v10  }
0x142: {  	v11 =	vperm.xlane v9, v7;
	v7 =	vperm.xlane v10, v7;
	_ =	sdelay $0x1  }
0x143: {  	vm10 =	veq.f32 v11, v9;
	vm11 =	vlt.s32 v7, v10  }
0x144: {  	vm12 =	vgt.f32 v11, v9;
	vm10 =	vmand vm10, vm11  }
0x145: {  	vm10 =	vmor vm12, vm10  }
0x146: {  	v9 =	vsel vm10, v11, v9;
	v7 =	vsel vm10, v7, v10  }
0x147: {  	v63 =	vperm.xlane v9, v6;
	v6 =	vperm.xlane v7, v6;
	_ =	sdelay $0x1  }
0x148: {  	vm10 =	veq.f32 v63, v9;
	vm11 =	vlt.s32 v6, v7  }
0x149: {  	vm12 =	vgt.f32 v63, v9;
	vm10 =	vmand vm10, vm11  }
0x14a: {  	vm10 =	vmor vm12, vm10  }
0x14b: {  	v9 =	vsel vm10, v63, v9;
	v6 =	vsel vm10, v6, v7  }
0x14c: {  	v7 =	vperm.xlane v9, v5;
	v5 =	vperm.xlane v6, v5;
	_ =	sdelay $0x1  }
0x14d: {  	vm10 =	veq.f32 v7, v9;
	vm11 =	vlt.s32 v5, v6  }
0x14e: {  	vm12 =	vgt.f32 v7, v9;
	vm10 =	vmand vm10, vm11  }
0x14f: {  	v7 =	vmul.u32 $0x2710, v8;
	vm10 =	vmor vm12, vm10  }
0x150: {  	v5 =	vsel vm10, v5, v6  }
0x151: {  	s29 =	sadd.s32 $0x1, s29;
	v5 =	vadd.s32 v7, v5  }
0x152: {  	p0 =	sne.s32 s29, s16;
	v5 =	vnsel vm9, $0x0, v5  }
.Ltmp11:
0x153: {  	[tilespmem:$0xC580] =	vst v5;
	(pc) =	sbr.rel @p0 .LBB2_1-.Ltmp11, $4  }
0x154: {  	[hbm4b:s15+s3] =	stream.linear.scatter [tilespmem:s26], [sflag:$0x6], $0x80, $0x38;
	[tilespmem:$0xC600] =	vst v63  }
0x155: {  	_ =	swait.ge [sflag:s28], $0x80  }
0x156: {  	[sflag:s28] =	ssyncset.done $0x0  }
0x157: {  	[sflag:s28] =	ssyncadd.s32 $0xFFFFFF80  }
0x158: {  	_ =	sfence.sel $0x180000  }
0x159: {  	[bflag:$0x0] =	sbarrier.arrive $0xFFFF  }
0x15a: {  	_ =	strace $0x90000047  }
0x15b: {  	s0 =	stileid.u32;
	[bflag:$0x2] =	sbarrier.arrive $0xFFFF  }
0x15c: {  	p0 =	sne.s32 s0, $0x0;
	s0 =	rddreg [dreg:$0x1]  }
0x15d: {  	s0 =	sadd.s32 @!p0 $0x100000, s0  }
0x15e: {  	[sflag:s0] =	ssyncadd.tile.s32 @!p0 $0x1;
	_ =	shalt  }
.Lfunc_end2:
_tile_overlayer_lowered:
.L_overlay_start_2:
0x15f: {  	(tag) =	ssettag $0x2  }
0x160: {  	s0 =	rddreg [dreg:$0x0];
	s2 =	stileid.u32  }
0x161: {  	s1 =	rddreg [dreg:$0x1];
	p0 =	sne.s32 s2, $0x0  }
0x162: {  	s3 =	rddreg [dreg:$0x2];
	[bflag:$0x3] =	sbarrier.arrive $0xFFFF;
	s2 =	simm.s32 @!p0 $0x1C06  }
0x163: {  	[timem:s3], [sflag:s2] =	dma.local @!p0 [hbm:s0], s1  }
0x164: {  	s0 =	simm.s32 @!p0 $0x6  }
0x165: {  	_ =	swait.ge @!p0 [sflag:s0], s1  }
0x166: {  	s1 =	ssub.s32 @!p0 $0x0, s1;
	[sflag:s0] =	ssyncset.done @!p0 $0x0  }
0x167: {  	[sflag:s0] =	ssyncadd.s32 @!p0 s1  }
0x168: {  	[bflag:$0x3] =	sbarrier.arrive $0xFFFF  }
0x169: {  	_ =	shalt  }

</sc_bundles>
